<compile_context>
chip_gen: v7x
topology: tpu7x:2x2x1
jax: 0.10.2.dev20260603
libtpu: 0.0.44.dev20260713+nightly
codegen_flags: <defaults>
</compile_context>

<pallas_src>
import functools

import jax
import jax.numpy as jnp
from jax import lax
from jax.experimental import pallas as pl
from jax.experimental.pallas import tpu as pltpu
from jax.experimental.pallas import tpu_sc as plsc

N = 10000
D_IN = 128
D = 16
E = 320000
NC = 2
NS = 16
NW = NC * NS
CHUNK = 2000
NCHUNK = 5
EP = NW * NCHUNK * CHUNK
NP = 10240
ROWS_PER_TILE = NP // NS
ZROWS = 128
NG = NCHUNK // 2


def _segsum16(y, src3, dst3):
    mesh = plsc.VectorSubcoreMesh(core_axis_name="c", subcore_axis_name="s")

    @functools.partial(
        pl.kernel,
        out_type=jax.ShapeDtypeStruct((NC, NP, D), jnp.float32),
        mesh=mesh,
        compiler_params=pltpu.CompilerParams(use_tc_tiling_on_sc=False),
        scratch_types=[
            pltpu.VMEM((NCHUNK, CHUNK), jnp.int32),
            pltpu.VMEM((NCHUNK, CHUNK), jnp.int32),
            pltpu.VMEM((CHUNK, D), jnp.float32),
            pltpu.VMEM((CHUNK, D), jnp.float32),
            pltpu.VMEM((ZROWS, D), jnp.float32),
            pltpu.VMEM_SHARED((NP, D), jnp.float32),
            pltpu.VMEM_SHARED((NP, D), jnp.float32),
            pltpu.SemaphoreType.DMA,
            pltpu.SemaphoreType.DMA,
            pltpu.SemaphoreType.DMA,
            pltpu.SemaphoreType.DMA,
        ],
    )
    def k(y_hbm, src_hbm, dst_hbm, out_hbm, src_v, dst_v, rows0, rows1,
          zbuf, ysp, acc, gsem0, gsem1, ssem0, ssem1):
        cid = lax.axis_index("c")
        sid = lax.axis_index("s")
        wid = cid * NS + sid

        pltpu.async_copy(
            y_hbm.at[pl.ds(sid * ROWS_PER_TILE, ROWS_PER_TILE)],
            ysp.at[pl.ds(sid * ROWS_PER_TILE, ROWS_PER_TILE)],
            gsem0,
        )
        pltpu.async_copy(src_hbm.at[wid], src_v, gsem1)
        pltpu.async_copy(dst_hbm.at[wid], dst_v, ssem0)

        zero16 = jnp.zeros((D,), jnp.float32)

        def zfill(i, _):
            zbuf[i] = zero16
            return 0

        lax.fori_loop(0, ZROWS, zfill, 0)

        for i in range(ROWS_PER_TILE // ZROWS):
            pltpu.async_copy(
                zbuf, acc.at[pl.ds(sid * ROWS_PER_TILE + i * ZROWS, ZROWS)], ssem1
            )

        pltpu.make_async_copy(
            y_hbm.at[pl.ds(sid * ROWS_PER_TILE, ROWS_PER_TILE)],
            ysp.at[pl.ds(sid * ROWS_PER_TILE, ROWS_PER_TILE)],
            gsem0,
        ).wait()
        pltpu.make_async_copy(src_hbm.at[wid], src_v, gsem1).wait()
        pltpu.make_async_copy(dst_hbm.at[wid], dst_v, ssem0).wait()
        for i in range(ROWS_PER_TILE // ZROWS):
            pltpu.make_async_copy(
                zbuf, acc.at[pl.ds(sid * ROWS_PER_TILE + i * ZROWS, ZROWS)], ssem1
            ).wait()
        plsc.subcore_barrier()

        pltpu.async_copy(ysp.at[src_v.at[0]], rows0, gsem0)
        pltpu.async_copy(ysp.at[src_v.at[1]], rows1, gsem1)

        def body(g, _):
            j0 = 2 * g
            j1 = j0 + 1
            pltpu.make_async_copy(ysp.at[src_v.at[j0]], rows0, gsem0).wait()
            pltpu.async_copy(rows0, acc.at[dst_v.at[j0]], ssem0, add=True)
            pltpu.make_async_copy(ysp.at[src_v.at[j1]], rows1, gsem1).wait()
            pltpu.async_copy(rows1, acc.at[dst_v.at[j1]], ssem1, add=True)
            pltpu.make_async_copy(rows0, acc.at[dst_v.at[j0]], ssem0).wait()
            pltpu.async_copy(ysp.at[src_v.at[j0 + 2]], rows0, gsem0)
            pltpu.make_async_copy(rows1, acc.at[dst_v.at[j1]], ssem1).wait()

            @pl.when(j1 + 2 < NCHUNK)
            def _():
                pltpu.async_copy(ysp.at[src_v.at[j1 + 2]], rows1, gsem1)

            return 0

        lax.fori_loop(0, NG, body, 0)

        jl = NCHUNK - 1
        pltpu.make_async_copy(ysp.at[src_v.at[jl]], rows0, gsem0).wait()
        pltpu.sync_copy(rows0, acc.at[dst_v.at[jl]], add=True)
        plsc.subcore_barrier()

        pltpu.sync_copy(
            acc.at[pl.ds(sid * ROWS_PER_TILE, ROWS_PER_TILE)],
            out_hbm.at[cid, pl.ds(sid * ROWS_PER_TILE, ROWS_PER_TILE)],
        )

    return k(y, src3, dst3)


_BR = 1024


def _tc_in(x, Wc):

    def body(x_ref, w_ref, y_ref, b_ref):
        z = jnp.dot(x_ref[...], w_ref[...], preferred_element_type=jnp.float32)
        y_ref[...] = z[:, :D]
        b_ref[...] = z[:, D:]

    return pl.pallas_call(
        body,
        grid=(NP // _BR,),
        in_specs=[
            pl.BlockSpec((_BR, D_IN), lambda i: (i, 0)),
            pl.BlockSpec((D_IN, 2 * D), lambda i: (0, 0)),
        ],
        out_specs=[
            pl.BlockSpec((_BR, D), lambda i: (i, 0)),
            pl.BlockSpec((_BR, D), lambda i: (i, 0)),
        ],
        out_shape=[
            jax.ShapeDtypeStruct((NP, D), jnp.float32),
            jax.ShapeDtypeStruct((NP, D), jnp.float32),
        ],
    )(x, Wc)


def _tc_mid(P, base1, b1r, w2relr, w2rootr):

    def body(p_ref, base_ref, b1_ref, wr_ref, wo_ref, y_ref, o_ref):
        h = jnp.maximum(p_ref[0] + p_ref[1] + base_ref[...] + b1_ref[...], 0.0)
        y_ref[...] = h * wr_ref[...]
        o_ref[...] = h * wo_ref[...]

    return pl.pallas_call(
        body,
        grid=(NP // _BR,),
        in_specs=[
            pl.BlockSpec((NC, _BR, D), lambda i: (0, i, 0)),
            pl.BlockSpec((_BR, D), lambda i: (i, 0)),
            pl.BlockSpec((1, D), lambda i: (0, 0)),
            pl.BlockSpec((1, D), lambda i: (0, 0)),
            pl.BlockSpec((1, D), lambda i: (0, 0)),
        ],
        out_specs=[
            pl.BlockSpec((_BR, D), lambda i: (i, 0)),
            pl.BlockSpec((_BR, D), lambda i: (i, 0)),
        ],
        out_shape=[
            jax.ShapeDtypeStruct((NP, D), jnp.float32),
            jax.ShapeDtypeStruct((NP, D), jnp.float32),
        ],
    )(P, base1, b1r, w2relr, w2rootr)


_BO = 1000


def _tc_out(Q, b2p, b2r):

    def body(q_ref, b_ref, b2_ref, o_ref):
        s = q_ref[0] + q_ref[1] + b_ref[...]
        o_ref[...] = jnp.sum(s, axis=1, keepdims=True) + b2_ref[0, 0]

    return pl.pallas_call(
        body,
        grid=(N // _BO,),
        in_specs=[
            pl.BlockSpec((NC, _BO, D), lambda i: (0, i, 0)),
            pl.BlockSpec((_BO, D), lambda i: (i, 0)),
            pl.BlockSpec((1, 1), lambda i: (0, 0)),
        ],
        out_specs=pl.BlockSpec((_BO, 1), lambda i: (i, 0)),
        out_shape=jax.ShapeDtypeStruct((N, 1), jnp.float32),
    )(Q, b2p, b2r)


def kernel(x, edge_index, W1_rel, b1, W1_root, W2_rel, b2, W2_root):
    pad = jnp.full((EP - E,), N, jnp.int32)
    src3 = jnp.concatenate([edge_index[0], pad]).reshape(NW, NCHUNK, CHUNK)
    dst3 = jnp.concatenate([edge_index[1], pad]).reshape(NW, NCHUNK, CHUNK)

    xp = jnp.concatenate([x, jnp.zeros((NP - N, D_IN), x.dtype)], axis=0)
    Wc = jnp.concatenate([W1_rel, W1_root], axis=1)
    y1, base1 = _tc_in(xp, Wc)

    P = _segsum16(y1, src3, dst3)

    y2p, b2p = _tc_mid(
        P,
        base1,
        b1.reshape(1, D),
        W2_rel.reshape(1, D),
        W2_root.reshape(1, D),
    )

    Q = _segsum16(y2p, src3, dst3)

    return _tc_out(Q, b2p, b2.reshape(1, 1))

# --- scband reference (transcript-rebuilt; emitter-appended) ---
"""Pipeline reference for scband-simple-gnn-gcn-17781164605885 (READ-ONLY COPY).

The authoritative reference and input builder live on the scoring server;
editing this copy changes nothing except your own understanding.
"""

import jax, jax.numpy as jnp
import numpy as np

N_NODES = 10000
N_EDGES = 320000
D_IN = 128
D_HID = 16
D_OUT = 1

def setup_inputs(seed: int = 0) -> dict:
    key = jax.random.key(seed)
    ks = jax.random.split(key, 8)
    x = jax.random.normal(ks[0], (N_NODES, D_IN), dtype=jnp.float32)
    edge_index = jax.random.randint(ks[1], (2, N_EDGES), 0, N_NODES, dtype=jnp.int32)
    # PyG GraphConv params: lin_rel (with bias) applied to aggregated neighbors,
    # lin_root (no bias) applied to the node itself.
    s1 = 1.0 / np.sqrt(D_IN)
    s2 = 1.0 / np.sqrt(D_HID)
    W1_rel = jax.random.uniform(ks[2], (D_IN, D_HID), jnp.float32, -s1, s1)
    b1 = jax.random.uniform(ks[3], (D_HID,), jnp.float32, -s1, s1)
    W1_root = jax.random.uniform(ks[4], (D_IN, D_HID), jnp.float32, -s1, s1)
    W2_rel = jax.random.uniform(ks[5], (D_HID, D_OUT), jnp.float32, -s2, s2)
    b2 = jax.random.uniform(ks[6], (D_OUT,), jnp.float32, -s2, s2)
    W2_root = jax.random.uniform(ks[7], (D_HID, D_OUT), jnp.float32, -s2, s2)
    return {"x": x, "edge_index": edge_index, "W1_rel": W1_rel, "b1": b1,
            "W1_root": W1_root, "W2_rel": W2_rel, "b2": b2, "W2_root": W2_root}

def _graph_conv(x, src, dst, W_rel, b, W_root):
    # GraphConv (aggr='add'): out_i = W_rel @ sum_{j->i} x_j + b + W_root @ x_i
    agg = jax.ops.segment_sum(jnp.take(x, src, axis=0), dst, num_segments=N_NODES)
    return agg @ W_rel + b + x @ W_root

def reference(x, edge_index, W1_rel, b1, W1_root, W2_rel, b2, W2_root):
    src = edge_index[0]
    dst = edge_index[1]
    h = _graph_conv(x, src, dst, W1_rel, b1, W1_root)
    h = jax.nn.relu(h)
    out = _graph_conv(h, src, dst, W2_rel, b2, W2_root)
    return out

if __name__ == "__main__":
    import jax
    _d = setup_inputs()
    print(jax.jit(kernel)(*tuple(_d.values())))

</pallas_src>

<mosaic_0001>
#map = affine_map<(d0, d1) -> (0, 0)>
#map1 = affine_map<(d0, d1) -> (0, 0, 0)>
module attributes {stable_mosaic.version = 14 : i64} {
  func.func @k(%arg0: i32, %arg1: i32, %arg2: memref<10240x16xf32, #tpu.memory_space<hbm>>, %arg3: memref<32x5x2000xi32, #tpu.memory_space<hbm>>, %arg4: memref<32x5x2000xi32, #tpu.memory_space<hbm>>, %arg5: memref<2x10240x16xf32, #tpu.memory_space<hbm>>, %arg6: memref<5x2000xi32, #tpu.memory_space<vmem>>, %arg7: memref<5x2000xi32, #tpu.memory_space<vmem>>, %arg8: memref<2000x16xf32, #tpu.memory_space<vmem>>, %arg9: memref<2000x16xf32, #tpu.memory_space<vmem>>, %arg10: memref<128x16xf32, #tpu.memory_space<vmem>>, %arg11: memref<10240x16xf32, #tpu.memory_space<vmem_shared>>, %arg12: memref<10240x16xf32, #tpu.memory_space<vmem_shared>>, %arg13: memref<!tpu.dma_semaphore, #tpu.memory_space<semaphore_mem>>, %arg14: memref<!tpu.dma_semaphore, #tpu.memory_space<semaphore_mem>>, %arg15: memref<!tpu.dma_semaphore, #tpu.memory_space<semaphore_mem>>, %arg16: memref<!tpu.dma_semaphore, #tpu.memory_space<semaphore_mem>>) attributes {dimension_semantics = [#tpu.dimension_semantics<core_parallel>, #tpu.dimension_semantics<subcore_parallel>], iteration_bounds = array<i64: 2, 16>, scalar_prefetch = 0 : i64, scratch_operands = 11 : i64, tpu.core_type = #tpu.core_type<sc_vector_subcore>, window_params = [{transform_indices = #map}, {transform_indices = #map1}, {transform_indices = #map1}, {transform_indices = #map1}]} {
    %mul3A = arith.constant 16 : i32
    %mul3A_0 = arith.muli %arg0, %mul3A : i32
    %add3A = arith.addi %mul3A_0, %arg1 : i32
    %mul3A_1 = arith.constant 640 : i32
    %mul3A_2 = arith.muli %arg1, %mul3A_1 : i32
    %mul3A_3 = arith.constant 640 : i32
    %mul3A_4 = arith.muli %arg1, %mul3A_3 : i32
    %dma_start3A = arith.constant 0 : i32
    %dma_start3A_5 = tpu.memref_slice %arg11[%mul3A_4, %dma_start3A] : memref<10240x16xf32, #tpu.memory_space<vmem_shared>> -> memref<640x16xf32, #tpu.memory_space<vmem_shared>>
    %dma_start3A_6 = arith.constant 0 : i32
    %dma_start3A_7 = tpu.memref_slice %arg2[%mul3A_2, %dma_start3A_6] : memref<10240x16xf32, #tpu.memory_space<hbm>> -> memref<640x16xf32, #tpu.memory_space<hbm>>
    tpu.enqueue_dma source(%dma_start3A_7 : memref<640x16xf32, #tpu.memory_space<hbm>>) target(%dma_start3A_5 : memref<640x16xf32, #tpu.memory_space<vmem_shared>>) target_semaphore(%arg13 : memref<!tpu.dma_semaphore, #tpu.memory_space<semaphore_mem>>)
    %dma_start3A_8 = arith.constant 0 : i32
    %dma_start3A_9 = arith.constant 0 : i32
    %dma_start3A_10 = tpu.memref_slice %arg3[%add3A, %dma_start3A_8, %dma_start3A_9] : memref<32x5x2000xi32, #tpu.memory_space<hbm>> -> memref<1x5x2000xi32, #tpu.memory_space<hbm>>
    %dma_start3A_11 = tpu.memref_squeeze %dma_start3A_10 : memref<1x5x2000xi32, #tpu.memory_space<hbm>> -> memref<5x2000xi32, #tpu.memory_space<hbm>>
    %dma_start3A_12 = arith.constant 0 : i32
    %dma_start3A_13 = arith.constant 0 : i32
    %dma_start3A_14 = tpu.memref_slice %arg3[%add3A, %dma_start3A_12, %dma_start3A_13] : memref<32x5x2000xi32, #tpu.memory_space<hbm>> -> memref<1x5x2000xi32, #tpu.memory_space<hbm>>
    %dma_start3A_15 = tpu.memref_squeeze %dma_start3A_14 : memref<1x5x2000xi32, #tpu.memory_space<hbm>> -> memref<5x2000xi32, #tpu.memory_space<hbm>>
    tpu.enqueue_dma source(%dma_start3A_15 : memref<5x2000xi32, #tpu.memory_space<hbm>>) target(%arg6 : memref<5x2000xi32, #tpu.memory_space<vmem>>) target_semaphore(%arg14 : memref<!tpu.dma_semaphore, #tpu.memory_space<semaphore_mem>>)
    %dma_start3A_16 = arith.constant 0 : i32
    %dma_start3A_17 = arith.constant 0 : i32
    %dma_start3A_18 = tpu.memref_slice %arg4[%add3A, %dma_start3A_16, %dma_start3A_17] : memref<32x5x2000xi32, #tpu.memory_space<hbm>> -> memref<1x5x2000xi32, #tpu.memory_space<hbm>>
    %dma_start3A_19 = tpu.memref_squeeze %dma_start3A_18 : memref<1x5x2000xi32, #tpu.memory_space<hbm>> -> memref<5x2000xi32, #tpu.memory_space<hbm>>
    %dma_start3A_20 = arith.constant 0 : i32
    %dma_start3A_21 = arith.constant 0 : i32
    %dma_start3A_22 = tpu.memref_slice %arg4[%add3A, %dma_start3A_20, %dma_start3A_21] : memref<32x5x2000xi32, #tpu.memory_space<hbm>> -> memref<1x5x2000xi32, #tpu.memory_space<hbm>>
    %dma_start3A_23 = tpu.memref_squeeze %dma_start3A_22 : memref<1x5x2000xi32, #tpu.memory_space<hbm>> -> memref<5x2000xi32, #tpu.memory_space<hbm>>
    tpu.enqueue_dma source(%dma_start3A_23 : memref<5x2000xi32, #tpu.memory_space<hbm>>) target(%arg7 : memref<5x2000xi32, #tpu.memory_space<vmem>>) target_semaphore(%arg15 : memref<!tpu.dma_semaphore, #tpu.memory_space<semaphore_mem>>)
    %broadcast_in_dim3A = arith.constant 0.000000e+00 : f32
    %broadcast_in_dim3A_24 = vector.broadcast %broadcast_in_dim3A : f32 to vector<16xf32>
    %scan3A = arith.constant 0 : i32
    %scan3A_25 = arith.constant 0 : i32
    %scan3A_26 = arith.constant 128 : i32
    %scan3A_27 = arith.addi %scan3A_25, %scan3A_26 : i32
    %scan3A_28 = arith.constant 1 : i32
    %scan3A_29 = scf.for %scan3A_167 = %scan3A_25 to %scan3A_27 step %scan3A_28 iter_args(%scan3A_168 = %scan3A) -> (i32)  : i32 {
      %swap3A = arith.index_cast %scan3A_167 : i32 to index
      %swap3A_169 = arith.constant 0 : index
      %swap3A_170 = tpu.vector_load %arg10[%swap3A, %swap3A_169] {strides = array<i32>} : memref<128x16xf32, #tpu.memory_space<vmem>>, vector<1x16xf32>,
      %swap3A_171 = vector.shape_cast %swap3A_170 : vector<1x16xf32> to vector<16xf32>
      %swap3A_172 = vector.shape_cast %broadcast_in_dim3A_24 : vector<16xf32> to vector<1x16xf32>
      tpu.vector_store %arg10[%swap3A, %swap3A_169], %swap3A_172 {strides = array<i32>} : memref<128x16xf32, #tpu.memory_space<vmem>>, vector<1x16xf32>,
      %scan3A_173 = arith.constant 0 : i32
      scf.yield %scan3A_173 : i32
    }
    %scan3A_30 = arith.constant 128 : i32
    %mul3A_31 = arith.constant 640 : i32
    %mul3A_32 = arith.muli %arg1, %mul3A_31 : i32
    %add3A_33 = arith.constant 0 : i32
    %add3A_34 = arith.addi %mul3A_32, %add3A_33 : i32
    %dma_start3A_35 = arith.constant 0 : i32
    %dma_start3A_36 = tpu.memref_slice %arg12[%add3A_34, %dma_start3A_35] : memref<10240x16xf32, #tpu.memory_space<vmem_shared>> -> memref<128x16xf32, #tpu.memory_space<vmem_shared>>
    %dma_start3A_37 = arith.constant 0 : i32
    %dma_start3A_38 = tpu.memref_slice %arg12[%add3A_34, %dma_start3A_37] : memref<10240x16xf32, #tpu.memory_space<vmem_shared>> -> memref<128x16xf32, #tpu.memory_space<vmem_shared>>
    tpu.enqueue_dma source(%arg10 : memref<128x16xf32, #tpu.memory_space<vmem>>) target(%dma_start3A_38 : memref<128x16xf32, #tpu.memory_space<vmem_shared>>) target_semaphore(%arg16 : memref<!tpu.dma_semaphore, #tpu.memory_space<semaphore_mem>>)
    %mul3A_39 = arith.constant 640 : i32
    %mul3A_40 = arith.muli %arg1, %mul3A_39 : i32
    %add3A_41 = arith.constant 128 : i32
    %add3A_42 = arith.addi %mul3A_40, %add3A_41 : i32
    %dma_start3A_43 = arith.constant 0 : i32
    %dma_start3A_44 = tpu.memref_slice %arg12[%add3A_42, %dma_start3A_43] : memref<10240x16xf32, #tpu.memory_space<vmem_shared>> -> memref<128x16xf32, #tpu.memory_space<vmem_shared>>
    %dma_start3A_45 = arith.constant 0 : i32
    %dma_start3A_46 = tpu.memref_slice %arg12[%add3A_42, %dma_start3A_45] : memref<10240x16xf32, #tpu.memory_space<vmem_shared>> -> memref<128x16xf32, #tpu.memory_space<vmem_shared>>
    tpu.enqueue_dma source(%arg10 : memref<128x16xf32, #tpu.memory_space<vmem>>) target(%dma_start3A_46 : memref<128x16xf32, #tpu.memory_space<vmem_shared>>) target_semaphore(%arg16 : memref<!tpu.dma_semaphore, #tpu.memory_space<semaphore_mem>>)
    %mul3A_47 = arith.constant 640 : i32
    %mul3A_48 = arith.muli %arg1, %mul3A_47 : i32
    %add3A_49 = arith.constant 256 : i32
    %add3A_50 = arith.addi %mul3A_48, %add3A_49 : i32
    %dma_start3A_51 = arith.constant 0 : i32
    %dma_start3A_52 = tpu.memref_slice %arg12[%add3A_50, %dma_start3A_51] : memref<10240x16xf32, #tpu.memory_space<vmem_shared>> -> memref<128x16xf32, #tpu.memory_space<vmem_shared>>
    %dma_start3A_53 = arith.constant 0 : i32
    %dma_start3A_54 = tpu.memref_slice %arg12[%add3A_50, %dma_start3A_53] : memref<10240x16xf32, #tpu.memory_space<vmem_shared>> -> memref<128x16xf32, #tpu.memory_space<vmem_shared>>
    tpu.enqueue_dma source(%arg10 : memref<128x16xf32, #tpu.memory_space<vmem>>) target(%dma_start3A_54 : memref<128x16xf32, #tpu.memory_space<vmem_shared>>) target_semaphore(%arg16 : memref<!tpu.dma_semaphore, #tpu.memory_space<semaphore_mem>>)
    %mul3A_55 = arith.constant 640 : i32
    %mul3A_56 = arith.muli %arg1, %mul3A_55 : i32
    %add3A_57 = arith.constant 384 : i32
    %add3A_58 = arith.addi %mul3A_56, %add3A_57 : i32
    %dma_start3A_59 = arith.constant 0 : i32
    %dma_start3A_60 = tpu.memref_slice %arg12[%add3A_58, %dma_start3A_59] : memref<10240x16xf32, #tpu.memory_space<vmem_shared>> -> memref<128x16xf32, #tpu.memory_space<vmem_shared>>
    %dma_start3A_61 = arith.constant 0 : i32
    %dma_start3A_62 = tpu.memref_slice %arg12[%add3A_58, %dma_start3A_61] : memref<10240x16xf32, #tpu.memory_space<vmem_shared>> -> memref<128x16xf32, #tpu.memory_space<vmem_shared>>
    tpu.enqueue_dma source(%arg10 : memref<128x16xf32, #tpu.memory_space<vmem>>) target(%dma_start3A_62 : memref<128x16xf32, #tpu.memory_space<vmem_shared>>) target_semaphore(%arg16 : memref<!tpu.dma_semaphore, #tpu.memory_space<semaphore_mem>>)
    %mul3A_63 = arith.constant 640 : i32
    %mul3A_64 = arith.muli %arg1, %mul3A_63 : i32
    %add3A_65 = arith.constant 512 : i32
    %add3A_66 = arith.addi %mul3A_64, %add3A_65 : i32
    %dma_start3A_67 = arith.constant 0 : i32
    %dma_start3A_68 = tpu.memref_slice %arg12[%add3A_66, %dma_start3A_67] : memref<10240x16xf32, #tpu.memory_space<vmem_shared>> -> memref<128x16xf32, #tpu.memory_space<vmem_shared>>
    %dma_start3A_69 = arith.constant 0 : i32
    %dma_start3A_70 = tpu.memref_slice %arg12[%add3A_66, %dma_start3A_69] : memref<10240x16xf32, #tpu.memory_space<vmem_shared>> -> memref<128x16xf32, #tpu.memory_space<vmem_shared>>
    tpu.enqueue_dma source(%arg10 : memref<128x16xf32, #tpu.memory_space<vmem>>) target(%dma_start3A_70 : memref<128x16xf32, #tpu.memory_space<vmem_shared>>) target_semaphore(%arg16 : memref<!tpu.dma_semaphore, #tpu.memory_space<semaphore_mem>>)
    %mul3A_71 = arith.constant 640 : i32
    %mul3A_72 = arith.muli %arg1, %mul3A_71 : i32
    %mul3A_73 = arith.constant 640 : i32
    %mul3A_74 = arith.muli %arg1, %mul3A_73 : i32
    %dma_wait3A = arith.constant 0 : i32
    %dma_wait3A_75 = tpu.memref_slice %arg11[%mul3A_74, %dma_wait3A] : memref<10240x16xf32, #tpu.memory_space<vmem_shared>> -> memref<640x16xf32, #tpu.memory_space<vmem_shared>>
    %dma_wait3A_76 = arith.constant 0 : i32
    %dma_wait3A_77 = tpu.memref_slice %arg2[%mul3A_72, %dma_wait3A_76] : memref<10240x16xf32, #tpu.memory_space<hbm>> -> memref<640x16xf32, #tpu.memory_space<hbm>>
    tpu.wait_dma2 semaphore(%arg13 : memref<!tpu.dma_semaphore, #tpu.memory_space<semaphore_mem>>) src(%dma_wait3A_77 : memref<640x16xf32, #tpu.memory_space<hbm>>) dst(%dma_wait3A_75 : memref<640x16xf32, #tpu.memory_space<vmem_shared>>)
    %dma_wait3A_78 = arith.constant 0 : i32
    %dma_wait3A_79 = arith.constant 0 : i32
    %dma_wait3A_80 = tpu.memref_slice %arg3[%add3A, %dma_wait3A_78, %dma_wait3A_79] : memref<32x5x2000xi32, #tpu.memory_space<hbm>> -> memref<1x5x2000xi32, #tpu.memory_space<hbm>>
    %dma_wait3A_81 = tpu.memref_squeeze %dma_wait3A_80 : memref<1x5x2000xi32, #tpu.memory_space<hbm>> -> memref<5x2000xi32, #tpu.memory_space<hbm>>
    %dma_wait3A_82 = arith.constant 0 : i32
    %dma_wait3A_83 = arith.constant 0 : i32
    %dma_wait3A_84 = tpu.memref_slice %arg3[%add3A, %dma_wait3A_82, %dma_wait3A_83] : memref<32x5x2000xi32, #tpu.memory_space<hbm>> -> memref<1x5x2000xi32, #tpu.memory_space<hbm>>
    %dma_wait3A_85 = tpu.memref_squeeze %dma_wait3A_84 : memref<1x5x2000xi32, #tpu.memory_space<hbm>> -> memref<5x2000xi32, #tpu.memory_space<hbm>>
    tpu.wait_dma2 semaphore(%arg14 : memref<!tpu.dma_semaphore, #tpu.memory_space<semaphore_mem>>) src(%dma_wait3A_85 : memref<5x2000xi32, #tpu.memory_space<hbm>>) dst(%arg6 : memref<5x2000xi32, #tpu.memory_space<vmem>>)
    %dma_wait3A_86 = arith.constant 0 : i32
    %dma_wait3A_87 = arith.constant 0 : i32
    %dma_wait3A_88 = tpu.memref_slice %arg4[%add3A, %dma_wait3A_86, %dma_wait3A_87] : memref<32x5x2000xi32, #tpu.memory_space<hbm>> -> memref<1x5x2000xi32, #tpu.memory_space<hbm>>
    %dma_wait3A_89 = tpu.memref_squeeze %dma_wait3A_88 : memref<1x5x2000xi32, #tpu.memory_space<hbm>> -> memref<5x2000xi32, #tpu.memory_space<hbm>>
    %dma_wait3A_90 = arith.constant 0 : i32
    %dma_wait3A_91 = arith.constant 0 : i32
    %dma_wait3A_92 = tpu.memref_slice %arg4[%add3A, %dma_wait3A_90, %dma_wait3A_91] : memref<32x5x2000xi32, #tpu.memory_space<hbm>> -> memref<1x5x2000xi32, #tpu.memory_space<hbm>>
    %dma_wait3A_93 = tpu.memref_squeeze %dma_wait3A_92 : memref<1x5x2000xi32, #tpu.memory_space<hbm>> -> memref<5x2000xi32, #tpu.memory_space<hbm>>
    tpu.wait_dma2 semaphore(%arg15 : memref<!tpu.dma_semaphore, #tpu.memory_space<semaphore_mem>>) src(%dma_wait3A_93 : memref<5x2000xi32, #tpu.memory_space<hbm>>) dst(%arg7 : memref<5x2000xi32, #tpu.memory_space<vmem>>)
    %mul3A_94 = arith.constant 640 : i32
    %mul3A_95 = arith.muli %arg1, %mul3A_94 : i32
    %add3A_96 = arith.constant 0 : i32
    %add3A_97 = arith.addi %mul3A_95, %add3A_96 : i32
    %dma_wait3A_98 = arith.constant 0 : i32
    %dma_wait3A_99 = tpu.memref_slice %arg12[%add3A_97, %dma_wait3A_98] : memref<10240x16xf32, #tpu.memory_space<vmem_shared>> -> memref<128x16xf32, #tpu.memory_space<vmem_shared>>
    %dma_wait3A_100 = arith.constant 0 : i32
    %dma_wait3A_101 = tpu.memref_slice %arg12[%add3A_97, %dma_wait3A_100] : memref<10240x16xf32, #tpu.memory_space<vmem_shared>> -> memref<128x16xf32, #tpu.memory_space<vmem_shared>>
    tpu.wait_dma2 semaphore(%arg16 : memref<!tpu.dma_semaphore, #tpu.memory_space<semaphore_mem>>) src(%arg10 : memref<128x16xf32, #tpu.memory_space<vmem>>) dst(%dma_wait3A_101 : memref<128x16xf32, #tpu.memory_space<vmem_shared>>)
    %mul3A_102 = arith.constant 640 : i32
    %mul3A_103 = arith.muli %arg1, %mul3A_102 : i32
    %add3A_104 = arith.constant 128 : i32
    %add3A_105 = arith.addi %mul3A_103, %add3A_104 : i32
    %dma_wait3A_106 = arith.constant 0 : i32
    %dma_wait3A_107 = tpu.memref_slice %arg12[%add3A_105, %dma_wait3A_106] : memref<10240x16xf32, #tpu.memory_space<vmem_shared>> -> memref<128x16xf32, #tpu.memory_space<vmem_shared>>
    %dma_wait3A_108 = arith.constant 0 : i32
    %dma_wait3A_109 = tpu.memref_slice %arg12[%add3A_105, %dma_wait3A_108] : memref<10240x16xf32, #tpu.memory_space<vmem_shared>> -> memref<128x16xf32, #tpu.memory_space<vmem_shared>>
    tpu.wait_dma2 semaphore(%arg16 : memref<!tpu.dma_semaphore, #tpu.memory_space<semaphore_mem>>) src(%arg10 : memref<128x16xf32, #tpu.memory_space<vmem>>) dst(%dma_wait3A_109 : memref<128x16xf32, #tpu.memory_space<vmem_shared>>)
    %mul3A_110 = arith.constant 640 : i32
    %mul3A_111 = arith.muli %arg1, %mul3A_110 : i32
    %add3A_112 = arith.constant 256 : i32
    %add3A_113 = arith.addi %mul3A_111, %add3A_112 : i32
    %dma_wait3A_114 = arith.constant 0 : i32
    %dma_wait3A_115 = tpu.memref_slice %arg12[%add3A_113, %dma_wait3A_114] : memref<10240x16xf32, #tpu.memory_space<vmem_shared>> -> memref<128x16xf32, #tpu.memory_space<vmem_shared>>
    %dma_wait3A_116 = arith.constant 0 : i32
    %dma_wait3A_117 = tpu.memref_slice %arg12[%add3A_113, %dma_wait3A_116] : memref<10240x16xf32, #tpu.memory_space<vmem_shared>> -> memref<128x16xf32, #tpu.memory_space<vmem_shared>>
    tpu.wait_dma2 semaphore(%arg16 : memref<!tpu.dma_semaphore, #tpu.memory_space<semaphore_mem>>) src(%arg10 : memref<128x16xf32, #tpu.memory_space<vmem>>) dst(%dma_wait3A_117 : memref<128x16xf32, #tpu.memory_space<vmem_shared>>)
    %mul3A_118 = arith.constant 640 : i32
    %mul3A_119 = arith.muli %arg1, %mul3A_118 : i32
    %add3A_120 = arith.constant 384 : i32
    %add3A_121 = arith.addi %mul3A_119, %add3A_120 : i32
    %dma_wait3A_122 = arith.constant 0 : i32
    %dma_wait3A_123 = tpu.memref_slice %arg12[%add3A_121, %dma_wait3A_122] : memref<10240x16xf32, #tpu.memory_space<vmem_shared>> -> memref<128x16xf32, #tpu.memory_space<vmem_shared>>
    %dma_wait3A_124 = arith.constant 0 : i32
    %dma_wait3A_125 = tpu.memref_slice %arg12[%add3A_121, %dma_wait3A_124] : memref<10240x16xf32, #tpu.memory_space<vmem_shared>> -> memref<128x16xf32, #tpu.memory_space<vmem_shared>>
    tpu.wait_dma2 semaphore(%arg16 : memref<!tpu.dma_semaphore, #tpu.memory_space<semaphore_mem>>) src(%arg10 : memref<128x16xf32, #tpu.memory_space<vmem>>) dst(%dma_wait3A_125 : memref<128x16xf32, #tpu.memory_space<vmem_shared>>)
    %mul3A_126 = arith.constant 640 : i32
    %mul3A_127 = arith.muli %arg1, %mul3A_126 : i32
    %add3A_128 = arith.constant 512 : i32
    %add3A_129 = arith.addi %mul3A_127, %add3A_128 : i32
    %dma_wait3A_130 = arith.constant 0 : i32
    %dma_wait3A_131 = tpu.memref_slice %arg12[%add3A_129, %dma_wait3A_130] : memref<10240x16xf32, #tpu.memory_space<vmem_shared>> -> memref<128x16xf32, #tpu.memory_space<vmem_shared>>
    %dma_wait3A_132 = arith.constant 0 : i32
    %dma_wait3A_133 = tpu.memref_slice %arg12[%add3A_129, %dma_wait3A_132] : memref<10240x16xf32, #tpu.memory_space<vmem_shared>> -> memref<128x16xf32, #tpu.memory_space<vmem_shared>>
    tpu.wait_dma2 semaphore(%arg16 : memref<!tpu.dma_semaphore, #tpu.memory_space<semaphore_mem>>) src(%arg10 : memref<128x16xf32, #tpu.memory_space<vmem>>) dst(%dma_wait3A_133 : memref<128x16xf32, #tpu.memory_space<vmem_shared>>)
    %barrier3A = arith.constant 0 : index
    tpu.barrier barrier_id(%barrier3A)
    %dma_start3A_134 = arith.constant 0 : i32
    %dma_start3A_135 = arith.constant 0 : i32
    %dma_start3A_136 = tpu.memref_slice %arg6[%dma_start3A_134, %dma_start3A_135] : memref<5x2000xi32, #tpu.memory_space<vmem>> -> memref<1x2000xi32, #tpu.memory_space<vmem>>
    %dma_start3A_137 = tpu.memref_squeeze %dma_start3A_136 : memref<1x2000xi32, #tpu.memory_space<vmem>> -> memref<2000xi32, #tpu.memory_space<vmem>>
    %dma_start3A_138 = arith.constant 0 : i32
    %dma_start3A_139 = arith.constant 0 : i32
    %dma_start3A_140 = tpu.memref_slice %arg11[%dma_start3A_138, %dma_start3A_139] : memref<10240x16xf32, #tpu.memory_space<vmem_shared>> -> memref<10240x16xf32, #tpu.memory_space<vmem_shared>>
    tpu.enqueue_indirect_dma source(%dma_start3A_140 : memref<10240x16xf32, #tpu.memory_space<vmem_shared>>) target(%arg8 : memref<2000x16xf32, #tpu.memory_space<vmem>>) offsets(%dma_start3A_137 : memref<2000xi32, #tpu.memory_space<vmem>>) semaphore(%arg13 : memref<!tpu.dma_semaphore, #tpu.memory_space<semaphore_mem>>)
    %dma_start3A_141 = arith.constant 1 : i32
    %dma_start3A_142 = arith.constant 0 : i32
    %dma_start3A_143 = tpu.memref_slice %arg6[%dma_start3A_141, %dma_start3A_142] : memref<5x2000xi32, #tpu.memory_space<vmem>> -> memref<1x2000xi32, #tpu.memory_space<vmem>>
    %dma_start3A_144 = tpu.memref_squeeze %dma_start3A_143 : memref<1x2000xi32, #tpu.memory_space<vmem>> -> memref<2000xi32, #tpu.memory_space<vmem>>
    %dma_start3A_145 = arith.constant 0 : i32
    %dma_start3A_146 = arith.constant 0 : i32
    %dma_start3A_147 = tpu.memref_slice %arg11[%dma_start3A_145, %dma_start3A_146] : memref<10240x16xf32, #tpu.memory_space<vmem_shared>> -> memref<10240x16xf32, #tpu.memory_space<vmem_shared>>
    tpu.enqueue_indirect_dma source(%dma_start3A_147 : memref<10240x16xf32, #tpu.memory_space<vmem_shared>>) target(%arg9 : memref<2000x16xf32, #tpu.memory_space<vmem>>) offsets(%dma_start3A_144 : memref<2000xi32, #tpu.memory_space<vmem>>) semaphore(%arg14 : memref<!tpu.dma_semaphore, #tpu.memory_space<semaphore_mem>>)
    %scan3A_148 = arith.constant 0 : i32
    %scan3A_149 = arith.constant 0 : i32
    %scan3A_150 = arith.constant 2 : i32
    %scan3A_151 = arith.addi %scan3A_149, %scan3A_150 : i32
    %scan3A_152 = arith.constant 1 : i32
    %scan3A_153 = scf.for %scan3A_167 = %scan3A_149 to %scan3A_151 step %scan3A_152 iter_args(%scan3A_168 = %scan3A_148) -> (i32)  : i32 {
      %mul3A_169 = arith.constant 2 : i32
      %mul3A_170 = arith.muli %mul3A_169, %scan3A_167 : i32
      %add3A_171 = arith.constant 1 : i32
      %add3A_172 = arith.addi %mul3A_170, %add3A_171 : i32
      %dma_wait3A_173 = arith.constant 0 : i32
      %dma_wait3A_174 = tpu.memref_slice %arg6[%mul3A_170, %dma_wait3A_173] : memref<5x2000xi32, #tpu.memory_space<vmem>> -> memref<1x2000xi32, #tpu.memory_space<vmem>>
      %dma_wait3A_175 = tpu.memref_squeeze %dma_wait3A_174 : memref<1x2000xi32, #tpu.memory_space<vmem>> -> memref<2000xi32, #tpu.memory_space<vmem>>
      %dma_wait3A_176 = arith.constant 0 : i32
      %dma_wait3A_177 = arith.constant 0 : i32
      %dma_wait3A_178 = tpu.memref_slice %arg11[%dma_wait3A_176, %dma_wait3A_177] : memref<10240x16xf32, #tpu.memory_space<vmem_shared>> -> memref<10240x16xf32, #tpu.memory_space<vmem_shared>>
      tpu.wait_indirect_dma semaphore(%arg13 : memref<!tpu.dma_semaphore, #tpu.memory_space<semaphore_mem>>) src(%dma_wait3A_178 : memref<10240x16xf32, #tpu.memory_space<vmem_shared>>) dst(%arg8 : memref<2000x16xf32, #tpu.memory_space<vmem>>)
      %dma_start3A_179 = arith.constant 0 : i32
      %dma_start3A_180 = tpu.memref_slice %arg7[%mul3A_170, %dma_start3A_179] : memref<5x2000xi32, #tpu.memory_space<vmem>> -> memref<1x2000xi32, #tpu.memory_space<vmem>>
      %dma_start3A_181 = tpu.memref_squeeze %dma_start3A_180 : memref<1x2000xi32, #tpu.memory_space<vmem>> -> memref<2000xi32, #tpu.memory_space<vmem>>
      %dma_start3A_182 = arith.constant 0 : i32
      %dma_start3A_183 = arith.constant 0 : i32
      %dma_start3A_184 = tpu.memref_slice %arg12[%dma_start3A_182, %dma_start3A_183] : memref<10240x16xf32, #tpu.memory_space<vmem_shared>> -> memref<10240x16xf32, #tpu.memory_space<vmem_shared>>
      tpu.enqueue_indirect_dma source(%arg8 : memref<2000x16xf32, #tpu.memory_space<vmem>>) target(%dma_start3A_184 : memref<10240x16xf32, #tpu.memory_space<vmem_shared>>) offsets(%dma_start3A_181 : memref<2000xi32, #tpu.memory_space<vmem>>) semaphore(%arg15 : memref<!tpu.dma_semaphore, #tpu.memory_space<semaphore_mem>>) {add = true}
      %dma_wait3A_185 = arith.constant 0 : i32
      %dma_wait3A_186 = tpu.memref_slice %arg6[%add3A_172, %dma_wait3A_185] : memref<5x2000xi32, #tpu.memory_space<vmem>> -> memref<1x2000xi32, #tpu.memory_space<vmem>>
      %dma_wait3A_187 = tpu.memref_squeeze %dma_wait3A_186 : memref<1x2000xi32, #tpu.memory_space<vmem>> -> memref<2000xi32, #tpu.memory_space<vmem>>
      %dma_wait3A_188 = arith.constant 0 : i32
      %dma_wait3A_189 = arith.constant 0 : i32
      %dma_wait3A_190 = tpu.memref_slice %arg11[%dma_wait3A_188, %dma_wait3A_189] : memref<10240x16xf32, #tpu.memory_space<vmem_shared>> -> memref<10240x16xf32, #tpu.memory_space<vmem_shared>>
      tpu.wait_indirect_dma semaphore(%arg14 : memref<!tpu.dma_semaphore, #tpu.memory_space<semaphore_mem>>) src(%dma_wait3A_190 : memref<10240x16xf32, #tpu.memory_space<vmem_shared>>) dst(%arg9 : memref<2000x16xf32, #tpu.memory_space<vmem>>)
      %dma_start3A_191 = arith.constant 0 : i32
      %dma_start3A_192 = tpu.memref_slice %arg7[%add3A_172, %dma_start3A_191] : memref<5x2000xi32, #tpu.memory_space<vmem>> -> memref<1x2000xi32, #tpu.memory_space<vmem>>
      %dma_start3A_193 = tpu.memref_squeeze %dma_start3A_192 : memref<1x2000xi32, #tpu.memory_space<vmem>> -> memref<2000xi32, #tpu.memory_space<vmem>>
      %dma_start3A_194 = arith.constant 0 : i32
      %dma_start3A_195 = arith.constant 0 : i32
      %dma_start3A_196 = tpu.memref_slice %arg12[%dma_start3A_194, %dma_start3A_195] : memref<10240x16xf32, #tpu.memory_space<vmem_shared>> -> memref<10240x16xf32, #tpu.memory_space<vmem_shared>>
      tpu.enqueue_indirect_dma source(%arg9 : memref<2000x16xf32, #tpu.memory_space<vmem>>) target(%dma_start3A_196 : memref<10240x16xf32, #tpu.memory_space<vmem_shared>>) offsets(%dma_start3A_193 : memref<2000xi32, #tpu.memory_space<vmem>>) semaphore(%arg16 : memref<!tpu.dma_semaphore, #tpu.memory_space<semaphore_mem>>) {add = true}
      %dma_wait3A_197 = arith.constant 0 : i32
      %dma_wait3A_198 = tpu.memref_slice %arg7[%mul3A_170, %dma_wait3A_197] : memref<5x2000xi32, #tpu.memory_space<vmem>> -> memref<1x2000xi32, #tpu.memory_space<vmem>>
      %dma_wait3A_199 = tpu.memref_squeeze %dma_wait3A_198 : memref<1x2000xi32, #tpu.memory_space<vmem>> -> memref<2000xi32, #tpu.memory_space<vmem>>
      %dma_wait3A_200 = arith.constant 0 : i32
      %dma_wait3A_201 = arith.constant 0 : i32
      %dma_wait3A_202 = tpu.memref_slice %arg12[%dma_wait3A_200, %dma_wait3A_201] : memref<10240x16xf32, #tpu.memory_space<vmem_shared>> -> memref<10240x16xf32, #tpu.memory_space<vmem_shared>>
      tpu.wait_indirect_dma semaphore(%arg15 : memref<!tpu.dma_semaphore, #tpu.memory_space<semaphore_mem>>) src(%arg8 : memref<2000x16xf32, #tpu.memory_space<vmem>>) dst(%dma_wait3A_202 : memref<10240x16xf32, #tpu.memory_space<vmem_shared>>)
      %add3A_203 = arith.constant 2 : i32
      %add3A_204 = arith.addi %mul3A_170, %add3A_203 : i32
      %dma_start3A_205 = arith.constant 0 : i32
      %dma_start3A_206 = tpu.memref_slice %arg6[%add3A_204, %dma_start3A_205] : memref<5x2000xi32, #tpu.memory_space<vmem>> -> memref<1x2000xi32, #tpu.memory_space<vmem>>
      %dma_start3A_207 = tpu.memref_squeeze %dma_start3A_206 : memref<1x2000xi32, #tpu.memory_space<vmem>> -> memref<2000xi32, #tpu.memory_space<vmem>>
      %dma_start3A_208 = arith.constant 0 : i32
      %dma_start3A_209 = arith.constant 0 : i32
      %dma_start3A_210 = tpu.memref_slice %arg11[%dma_start3A_208, %dma_start3A_209] : memref<10240x16xf32, #tpu.memory_space<vmem_shared>> -> memref<10240x16xf32, #tpu.memory_space<vmem_shared>>
      tpu.enqueue_indirect_dma source(%dma_start3A_210 : memref<10240x16xf32, #tpu.memory_space<vmem_shared>>) target(%arg8 : memref<2000x16xf32, #tpu.memory_space<vmem>>) offsets(%dma_start3A_207 : memref<2000xi32, #tpu.memory_space<vmem>>) semaphore(%arg13 : memref<!tpu.dma_semaphore, #tpu.memory_space<semaphore_mem>>)
      %dma_wait3A_211 = arith.constant 0 : i32
      %dma_wait3A_212 = tpu.memref_slice %arg7[%add3A_172, %dma_wait3A_211] : memref<5x2000xi32, #tpu.memory_space<vmem>> -> memref<1x2000xi32, #tpu.memory_space<vmem>>
      %dma_wait3A_213 = tpu.memref_squeeze %dma_wait3A_212 : memref<1x2000xi32, #tpu.memory_space<vmem>> -> memref<2000xi32, #tpu.memory_space<vmem>>
      %dma_wait3A_214 = arith.constant 0 : i32
      %dma_wait3A_215 = arith.constant 0 : i32
      %dma_wait3A_216 = tpu.memref_slice %arg12[%dma_wait3A_214, %dma_wait3A_215] : memref<10240x16xf32, #tpu.memory_space<vmem_shared>> -> memref<10240x16xf32, #tpu.memory_space<vmem_shared>>
      tpu.wait_indirect_dma semaphore(%arg16 : memref<!tpu.dma_semaphore, #tpu.memory_space<semaphore_mem>>) src(%arg9 : memref<2000x16xf32, #tpu.memory_space<vmem>>) dst(%dma_wait3A_216 : memref<10240x16xf32, #tpu.memory_space<vmem_shared>>)
      %add3A_217 = arith.constant 2 : i32
      %add3A_218 = arith.addi %add3A_172, %add3A_217 : i32
      %lt3A = arith.constant 5 : i32
      %lt3A_219 = arith.cmpi slt, %add3A_218, %lt3A : i32
      %convert_element_type3A = arith.extui %lt3A_219 : i1 to i32
      %cond3A = arith.constant 0 : i32
      %cond3A_220 = arith.cmpi ne, %convert_element_type3A, %cond3A : i32
      scf.if %cond3A_220 {
        %add3A_222 = arith.constant 2 : i32
        %add3A_223 = arith.addi %add3A_172, %add3A_222 : i32
        %dma_start3A_224 = arith.constant 0 : i32
        %dma_start3A_225 = tpu.memref_slice %arg6[%add3A_223, %dma_start3A_224] : memref<5x2000xi32, #tpu.memory_space<vmem>> -> memref<1x2000xi32, #tpu.memory_space<vmem>>
        %dma_start3A_226 = tpu.memref_squeeze %dma_start3A_225 : memref<1x2000xi32, #tpu.memory_space<vmem>> -> memref<2000xi32, #tpu.memory_space<vmem>>
        %dma_start3A_227 = arith.constant 0 : i32
        %dma_start3A_228 = arith.constant 0 : i32
        %dma_start3A_229 = tpu.memref_slice %arg11[%dma_start3A_227, %dma_start3A_228] : memref<10240x16xf32, #tpu.memory_space<vmem_shared>> -> memref<10240x16xf32, #tpu.memory_space<vmem_shared>>
        tpu.enqueue_indirect_dma source(%dma_start3A_229 : memref<10240x16xf32, #tpu.memory_space<vmem_shared>>) target(%arg9 : memref<2000x16xf32, #tpu.memory_space<vmem>>) offsets(%dma_start3A_226 : memref<2000xi32, #tpu.memory_space<vmem>>) semaphore(%arg14 : memref<!tpu.dma_semaphore, #tpu.memory_space<semaphore_mem>>)
      } else {
      }
      %scan3A_221 = arith.constant 0 : i32
      scf.yield %scan3A_221 : i32
    }
    %scan3A_154 = arith.constant 2 : i32
    %dma_wait3A_155 = arith.constant 4 : i32
    %dma_wait3A_156 = arith.constant 0 : i32
    %dma_wait3A_157 = tpu.memref_slice %arg6[%dma_wait3A_155, %dma_wait3A_156] : memref<5x2000xi32, #tpu.memory_space<vmem>> -> memref<1x2000xi32, #tpu.memory_space<vmem>>
    %dma_wait3A_158 = tpu.memref_squeeze %dma_wait3A_157 : memref<1x2000xi32, #tpu.memory_space<vmem>> -> memref<2000xi32, #tpu.memory_space<vmem>>
    %dma_wait3A_159 = arith.constant 0 : i32
    %dma_wait3A_160 = arith.constant 0 : i32
    %dma_wait3A_161 = tpu.memref_slice %arg11[%dma_wait3A_159, %dma_wait3A_160] : memref<10240x16xf32, #tpu.memory_space<vmem_shared>> -> memref<10240x16xf32, #tpu.memory_space<vmem_shared>>
    tpu.wait_indirect_dma semaphore(%arg13 : memref<!tpu.dma_semaphore, #tpu.memory_space<semaphore_mem>>) src(%dma_wait3A_161 : memref<10240x16xf32, #tpu.memory_space<vmem_shared>>) dst(%arg8 : memref<2000x16xf32, #tpu.memory_space<vmem>>)
    %run_scoped3A = arith.constant 4 : i32
    "tpu.region"() ({
      %run_scoped3A_167 = tpu.sem_alloc : memref<!tpu.dma_semaphore, #tpu.memory_space<semaphore_mem>>
      %dma_start3A_168 = arith.constant 0 : i32
      %dma_start3A_169 = tpu.memref_slice %arg7[%run_scoped3A, %dma_start3A_168] : memref<5x2000xi32, #tpu.memory_space<vmem>> -> memref<1x2000xi32, #tpu.memory_space<vmem>>
      %dma_start3A_170 = tpu.memref_squeeze %dma_start3A_169 : memref<1x2000xi32, #tpu.memory_space<vmem>> -> memref<2000xi32, #tpu.memory_space<vmem>>
      %dma_start3A_171 = arith.constant 0 : i32
      %dma_start3A_172 = arith.constant 0 : i32
      %dma_start3A_173 = tpu.memref_slice %arg12[%dma_start3A_171, %dma_start3A_172] : memref<10240x16xf32, #tpu.memory_space<vmem_shared>> -> memref<10240x16xf32, #tpu.memory_space<vmem_shared>>
      tpu.enqueue_indirect_dma source(%arg8 : memref<2000x16xf32, #tpu.memory_space<vmem>>) target(%dma_start3A_173 : memref<10240x16xf32, #tpu.memory_space<vmem_shared>>) offsets(%dma_start3A_170 : memref<2000xi32, #tpu.memory_space<vmem>>) semaphore(%run_scoped3A_167 : memref<!tpu.dma_semaphore, #tpu.memory_space<semaphore_mem>>) {add = true}
      %dma_wait3A_174 = arith.constant 0 : i32
      %dma_wait3A_175 = tpu.memref_slice %arg7[%run_scoped3A, %dma_wait3A_174] : memref<5x2000xi32, #tpu.memory_space<vmem>> -> memref<1x2000xi32, #tpu.memory_space<vmem>>
      %dma_wait3A_176 = tpu.memref_squeeze %dma_wait3A_175 : memref<1x2000xi32, #tpu.memory_space<vmem>> -> memref<2000xi32, #tpu.memory_space<vmem>>
      %dma_wait3A_177 = arith.constant 0 : i32
      %dma_wait3A_178 = arith.constant 0 : i32
      %dma_wait3A_179 = tpu.memref_slice %arg12[%dma_wait3A_177, %dma_wait3A_178] : memref<10240x16xf32, #tpu.memory_space<vmem_shared>> -> memref<10240x16xf32, #tpu.memory_space<vmem_shared>>
      tpu.wait_indirect_dma semaphore(%run_scoped3A_167 : memref<!tpu.dma_semaphore, #tpu.memory_space<semaphore_mem>>) src(%arg8 : memref<2000x16xf32, #tpu.memory_space<vmem>>) dst(%dma_wait3A_179 : memref<10240x16xf32, #tpu.memory_space<vmem_shared>>)
      tpu.yield
    }) : () -> ()
    %barrier3A_162 = arith.constant 0 : index
    tpu.barrier barrier_id(%barrier3A_162)
    %mul3A_163 = arith.constant 640 : i32
    %mul3A_164 = arith.muli %arg1, %mul3A_163 : i32
    %mul3A_165 = arith.constant 640 : i32
    %mul3A_166 = arith.muli %arg1, %mul3A_165 : i32
    "tpu.region"() ({
      %run_scoped3A_167 = tpu.sem_alloc : memref<!tpu.dma_semaphore, #tpu.memory_space<semaphore_mem>>
      %dma_start3A_168 = arith.constant 0 : i32
      %dma_start3A_169 = tpu.memref_slice %arg5[%arg0, %mul3A_166, %dma_start3A_168] : memref<2x10240x16xf32, #tpu.memory_space<hbm>> -> memref<1x640x16xf32, #tpu.memory_space<hbm>>
      %dma_start3A_170 = tpu.memref_squeeze %dma_start3A_169 : memref<1x640x16xf32, #tpu.memory_space<hbm>> -> memref<640x16xf32, #tpu.memory_space<hbm>>
      %dma_start3A_171 = arith.constant 0 : i32
      %dma_start3A_172 = tpu.memref_slice %arg12[%mul3A_164, %dma_start3A_171] : memref<10240x16xf32, #tpu.memory_space<vmem_shared>> -> memref<640x16xf32, #tpu.memory_space<vmem_shared>>
      tpu.enqueue_dma source(%dma_start3A_172 : memref<640x16xf32, #tpu.memory_space<vmem_shared>>) target(%dma_start3A_170 : memref<640x16xf32, #tpu.memory_space<hbm>>) target_semaphore(%run_scoped3A_167 : memref<!tpu.dma_semaphore, #tpu.memory_space<semaphore_mem>>)
      %dma_wait3A_173 = arith.constant 0 : i32
      %dma_wait3A_174 = tpu.memref_slice %arg5[%arg0, %mul3A_166, %dma_wait3A_173] : memref<2x10240x16xf32, #tpu.memory_space<hbm>> -> memref<1x640x16xf32, #tpu.memory_space<hbm>>
      %dma_wait3A_175 = tpu.memref_squeeze %dma_wait3A_174 : memref<1x640x16xf32, #tpu.memory_space<hbm>> -> memref<640x16xf32, #tpu.memory_space<hbm>>
      %dma_wait3A_176 = arith.constant 0 : i32
      %dma_wait3A_177 = tpu.memref_slice %arg12[%mul3A_164, %dma_wait3A_176] : memref<10240x16xf32, #tpu.memory_space<vmem_shared>> -> memref<640x16xf32, #tpu.memory_space<vmem_shared>>
      tpu.wait_dma2 semaphore(%run_scoped3A_167 : memref<!tpu.dma_semaphore, #tpu.memory_space<semaphore_mem>>) src(%dma_wait3A_177 : memref<640x16xf32, #tpu.memory_space<vmem_shared>>) dst(%dma_wait3A_175 : memref<640x16xf32, #tpu.memory_space<hbm>>)
      tpu.yield
    }) : () -> ()
    return
  }
}

#map = affine_map<(d0, d1) -> (0, 0)>
#map1 = affine_map<(d0, d1) -> (0, 0, 0)>
module attributes {stable_mosaic.version = 14 : i64} {
  func.func @k(%arg0: i32, %arg1: i32, %arg2: memref<10240x16xf32, #tpu.memory_space<hbm>>, %arg3: memref<32x5x2000xi32, #tpu.memory_space<hbm>>, %arg4: memref<32x5x2000xi32, #tpu.memory_space<hbm>>, %arg5: memref<2x10240x16xf32, #tpu.memory_space<hbm>>, %arg6: memref<5x2000xi32, #tpu.memory_space<vmem>>, %arg7: memref<5x2000xi32, #tpu.memory_space<vmem>>, %arg8: memref<2000x16xf32, #tpu.memory_space<vmem>>, %arg9: memref<2000x16xf32, #tpu.memory_space<vmem>>, %arg10: memref<128x16xf32, #tpu.memory_space<vmem>>, %arg11: memref<10240x16xf32, #tpu.memory_space<vmem_shared>>, %arg12: memref<10240x16xf32, #tpu.memory_space<vmem_shared>>, %arg13: memref<!tpu.dma_semaphore, #tpu.memory_space<semaphore_mem>>, %arg14: memref<!tpu.dma_semaphore, #tpu.memory_space<semaphore_mem>>, %arg15: memref<!tpu.dma_semaphore, #tpu.memory_space<semaphore_mem>>, %arg16: memref<!tpu.dma_semaphore, #tpu.memory_space<semaphore_mem>>) attributes {dimension_semantics = [#tpu.dimension_semantics<core_parallel>, #tpu.dimension_semantics<subcore_parallel>], iteration_bounds = array<i64: 2, 16>, scalar_prefetch = 0 : i64, scratch_operands = 11 : i64, tpu.core_type = #tpu.core_type<sc_vector_subcore>, window_params = [{transform_indices = #map}, {transform_indices = #map1}, {transform_indices = #map1}, {transform_indices = #map1}]} {
    %mul3A = arith.constant 16 : i32
    %mul3A_0 = arith.muli %arg0, %mul3A : i32
    %add3A = arith.addi %mul3A_0, %arg1 : i32
    %mul3A_1 = arith.constant 640 : i32
    %mul3A_2 = arith.muli %arg1, %mul3A_1 : i32
    %mul3A_3 = arith.constant 640 : i32
    %mul3A_4 = arith.muli %arg1, %mul3A_3 : i32
    %dma_start3A = arith.constant 0 : i32
    %dma_start3A_5 = tpu.memref_slice %arg11[%mul3A_4, %dma_start3A] : memref<10240x16xf32, #tpu.memory_space<vmem_shared>> -> memref<640x16xf32, #tpu.memory_space<vmem_shared>>
    %dma_start3A_6 = arith.constant 0 : i32
    %dma_start3A_7 = tpu.memref_slice %arg2[%mul3A_2, %dma_start3A_6] : memref<10240x16xf32, #tpu.memory_space<hbm>> -> memref<640x16xf32, #tpu.memory_space<hbm>>
    tpu.enqueue_dma source(%dma_start3A_7 : memref<640x16xf32, #tpu.memory_space<hbm>>) target(%dma_start3A_5 : memref<640x16xf32, #tpu.memory_space<vmem_shared>>) target_semaphore(%arg13 : memref<!tpu.dma_semaphore, #tpu.memory_space<semaphore_mem>>)
    %dma_start3A_8 = arith.constant 0 : i32
    %dma_start3A_9 = arith.constant 0 : i32
    %dma_start3A_10 = tpu.memref_slice %arg3[%add3A, %dma_start3A_8, %dma_start3A_9] : memref<32x5x2000xi32, #tpu.memory_space<hbm>> -> memref<1x5x2000xi32, #tpu.memory_space<hbm>>
    %dma_start3A_11 = tpu.memref_squeeze %dma_start3A_10 : memref<1x5x2000xi32, #tpu.memory_space<hbm>> -> memref<5x2000xi32, #tpu.memory_space<hbm>>
    %dma_start3A_12 = arith.constant 0 : i32
    %dma_start3A_13 = arith.constant 0 : i32
    %dma_start3A_14 = tpu.memref_slice %arg3[%add3A, %dma_start3A_12, %dma_start3A_13] : memref<32x5x2000xi32, #tpu.memory_space<hbm>> -> memref<1x5x2000xi32, #tpu.memory_space<hbm>>
    %dma_start3A_15 = tpu.memref_squeeze %dma_start3A_14 : memref<1x5x2000xi32, #tpu.memory_space<hbm>> -> memref<5x2000xi32, #tpu.memory_space<hbm>>
    tpu.enqueue_dma source(%dma_start3A_15 : memref<5x2000xi32, #tpu.memory_space<hbm>>) target(%arg6 : memref<5x2000xi32, #tpu.memory_space<vmem>>) target_semaphore(%arg14 : memref<!tpu.dma_semaphore, #tpu.memory_space<semaphore_mem>>)
    %dma_start3A_16 = arith.constant 0 : i32
    %dma_start3A_17 = arith.constant 0 : i32
    %dma_start3A_18 = tpu.memref_slice %arg4[%add3A, %dma_start3A_16, %dma_start3A_17] : memref<32x5x2000xi32, #tpu.memory_space<hbm>> -> memref<1x5x2000xi32, #tpu.memory_space<hbm>>
    %dma_start3A_19 = tpu.memref_squeeze %dma_start3A_18 : memref<1x5x2000xi32, #tpu.memory_space<hbm>> -> memref<5x2000xi32, #tpu.memory_space<hbm>>
    %dma_start3A_20 = arith.constant 0 : i32
    %dma_start3A_21 = arith.constant 0 : i32
    %dma_start3A_22 = tpu.memref_slice %arg4[%add3A, %dma_start3A_20, %dma_start3A_21] : memref<32x5x2000xi32, #tpu.memory_space<hbm>> -> memref<1x5x2000xi32, #tpu.memory_space<hbm>>
    %dma_start3A_23 = tpu.memref_squeeze %dma_start3A_22 : memref<1x5x2000xi32, #tpu.memory_space<hbm>> -> memref<5x2000xi32, #tpu.memory_space<hbm>>
    tpu.enqueue_dma source(%dma_start3A_23 : memref<5x2000xi32, #tpu.memory_space<hbm>>) target(%arg7 : memref<5x2000xi32, #tpu.memory_space<vmem>>) target_semaphore(%arg15 : memref<!tpu.dma_semaphore, #tpu.memory_space<semaphore_mem>>)
    %broadcast_in_dim3A = arith.constant 0.000000e+00 : f32
    %broadcast_in_dim3A_24 = vector.broadcast %broadcast_in_dim3A : f32 to vector<16xf32>
    %scan3A = arith.constant 0 : i32
    %scan3A_25 = arith.constant 0 : i32
    %scan3A_26 = arith.constant 128 : i32
    %scan3A_27 = arith.addi %scan3A_25, %scan3A_26 : i32
    %scan3A_28 = arith.constant 1 : i32
    %scan3A_29 = scf.for %scan3A_167 = %scan3A_25 to %scan3A_27 step %scan3A_28 iter_args(%scan3A_168 = %scan3A) -> (i32)  : i32 {
      %swap3A = arith.index_cast %scan3A_167 : i32 to index
      %swap3A_169 = arith.constant 0 : index
      %swap3A_170 = tpu.vector_load %arg10[%swap3A, %swap3A_169] {strides = array<i32>} : memref<128x16xf32, #tpu.memory_space<vmem>>, vector<1x16xf32>,
      %swap3A_171 = vector.shape_cast %swap3A_170 : vector<1x16xf32> to vector<16xf32>
      %swap3A_172 = vector.shape_cast %broadcast_in_dim3A_24 : vector<16xf32> to vector<1x16xf32>
      tpu.vector_store %arg10[%swap3A, %swap3A_169], %swap3A_172 {strides = array<i32>} : memref<128x16xf32, #tpu.memory_space<vmem>>, vector<1x16xf32>,
      %scan3A_173 = arith.constant 0 : i32
      scf.yield %scan3A_173 : i32
    }
    %scan3A_30 = arith.constant 128 : i32
    %mul3A_31 = arith.constant 640 : i32
    %mul3A_32 = arith.muli %arg1, %mul3A_31 : i32
    %add3A_33 = arith.constant 0 : i32
    %add3A_34 = arith.addi %mul3A_32, %add3A_33 : i32
    %dma_start3A_35 = arith.constant 0 : i32
    %dma_start3A_36 = tpu.memref_slice %arg12[%add3A_34, %dma_start3A_35] : memref<10240x16xf32, #tpu.memory_space<vmem_shared>> -> memref<128x16xf32, #tpu.memory_space<vmem_shared>>
    %dma_start3A_37 = arith.constant 0 : i32
    %dma_start3A_38 = tpu.memref_slice %arg12[%add3A_34, %dma_start3A_37] : memref<10240x16xf32, #tpu.memory_space<vmem_shared>> -> memref<128x16xf32, #tpu.memory_space<vmem_shared>>
    tpu.enqueue_dma source(%arg10 : memref<128x16xf32, #tpu.memory_space<vmem>>) target(%dma_start3A_38 : memref<128x16xf32, #tpu.memory_space<vmem_shared>>) target_semaphore(%arg16 : memref<!tpu.dma_semaphore, #tpu.memory_space<semaphore_mem>>)
    %mul3A_39 = arith.constant 640 : i32
    %mul3A_40 = arith.muli %arg1, %mul3A_39 : i32
    %add3A_41 = arith.constant 128 : i32
    %add3A_42 = arith.addi %mul3A_40, %add3A_41 : i32
    %dma_start3A_43 = arith.constant 0 : i32
    %dma_start3A_44 = tpu.memref_slice %arg12[%add3A_42, %dma_start3A_43] : memref<10240x16xf32, #tpu.memory_space<vmem_shared>> -> memref<128x16xf32, #tpu.memory_space<vmem_shared>>
    %dma_start3A_45 = arith.constant 0 : i32
    %dma_start3A_46 = tpu.memref_slice %arg12[%add3A_42, %dma_start3A_45] : memref<10240x16xf32, #tpu.memory_space<vmem_shared>> -> memref<128x16xf32, #tpu.memory_space<vmem_shared>>
    tpu.enqueue_dma source(%arg10 : memref<128x16xf32, #tpu.memory_space<vmem>>) target(%dma_start3A_46 : memref<128x16xf32, #tpu.memory_space<vmem_shared>>) target_semaphore(%arg16 : memref<!tpu.dma_semaphore, #tpu.memory_space<semaphore_mem>>)
    %mul3A_47 = arith.constant 640 : i32
    %mul3A_48 = arith.muli %arg1, %mul3A_47 : i32
    %add3A_49 = arith.constant 256 : i32
    %add3A_50 = arith.addi %mul3A_48, %add3A_49 : i32
    %dma_start3A_51 = arith.constant 0 : i32
    %dma_start3A_52 = tpu.memref_slice %arg12[%add3A_50, %dma_start3A_51] : memref<10240x16xf32, #tpu.memory_space<vmem_shared>> -> memref<128x16xf32, #tpu.memory_space<vmem_shared>>
    %dma_start3A_53 = arith.constant 0 : i32
    %dma_start3A_54 = tpu.memref_slice %arg12[%add3A_50, %dma_start3A_53] : memref<10240x16xf32, #tpu.memory_space<vmem_shared>> -> memref<128x16xf32, #tpu.memory_space<vmem_shared>>
    tpu.enqueue_dma source(%arg10 : memref<128x16xf32, #tpu.memory_space<vmem>>) target(%dma_start3A_54 : memref<128x16xf32, #tpu.memory_space<vmem_shared>>) target_semaphore(%arg16 : memref<!tpu.dma_semaphore, #tpu.memory_space<semaphore_mem>>)
    %mul3A_55 = arith.constant 640 : i32
    %mul3A_56 = arith.muli %arg1, %mul3A_55 : i32
    %add3A_57 = arith.constant 384 : i32
    %add3A_58 = arith.addi %mul3A_56, %add3A_57 : i32
    %dma_start3A_59 = arith.constant 0 : i32
    %dma_start3A_60 = tpu.memref_slice %arg12[%add3A_58, %dma_start3A_59] : memref<10240x16xf32, #tpu.memory_space<vmem_shared>> -> memref<128x16xf32, #tpu.memory_space<vmem_shared>>
    %dma_start3A_61 = arith.constant 0 : i32
    %dma_start3A_62 = tpu.memref_slice %arg12[%add3A_58, %dma_start3A_61] : memref<10240x16xf32, #tpu.memory_space<vmem_shared>> -> memref<128x16xf32, #tpu.memory_space<vmem_shared>>
    tpu.enqueue_dma source(%arg10 : memref<128x16xf32, #tpu.memory_space<vmem>>) target(%dma_start3A_62 : memref<128x16xf32, #tpu.memory_space<vmem_shared>>) target_semaphore(%arg16 : memref<!tpu.dma_semaphore, #tpu.memory_space<semaphore_mem>>)
    %mul3A_63 = arith.constant 640 : i32
    %mul3A_64 = arith.muli %arg1, %mul3A_63 : i32
    %add3A_65 = arith.constant 512 : i32
    %add3A_66 = arith.addi %mul3A_64, %add3A_65 : i32
    %dma_start3A_67 = arith.constant 0 : i32
    %dma_start3A_68 = tpu.memref_slice %arg12[%add3A_66, %dma_start3A_67] : memref<10240x16xf32, #tpu.memory_space<vmem_shared>> -> memref<128x16xf32, #tpu.memory_space<vmem_shared>>
    %dma_start3A_69 = arith.constant 0 : i32
    %dma_start3A_70 = tpu.memref_slice %arg12[%add3A_66, %dma_start3A_69] : memref<10240x16xf32, #tpu.memory_space<vmem_shared>> -> memref<128x16xf32, #tpu.memory_space<vmem_shared>>
    tpu.enqueue_dma source(%arg10 : memref<128x16xf32, #tpu.memory_space<vmem>>) target(%dma_start3A_70 : memref<128x16xf32, #tpu.memory_space<vmem_shared>>) target_semaphore(%arg16 : memref<!tpu.dma_semaphore, #tpu.memory_space<semaphore_mem>>)
    %mul3A_71 = arith.constant 640 : i32
    %mul3A_72 = arith.muli %arg1, %mul3A_71 : i32
    %mul3A_73 = arith.constant 640 : i32
    %mul3A_74 = arith.muli %arg1, %mul3A_73 : i32
    %dma_wait3A = arith.constant 0 : i32
    %dma_wait3A_75 = tpu.memref_slice %arg11[%mul3A_74, %dma_wait3A] : memref<10240x16xf32, #tpu.memory_space<vmem_shared>> -> memref<640x16xf32, #tpu.memory_space<vmem_shared>>
    %dma_wait3A_76 = arith.constant 0 : i32
    %dma_wait3A_77 = tpu.memref_slice %arg2[%mul3A_72, %dma_wait3A_76] : memref<10240x16xf32, #tpu.memory_space<hbm>> -> memref<640x16xf32, #tpu.memory_space<hbm>>
    tpu.wait_dma2 semaphore(%arg13 : memref<!tpu.dma_semaphore, #tpu.memory_space<semaphore_mem>>) src(%dma_wait3A_77 : memref<640x16xf32, #tpu.memory_space<hbm>>) dst(%dma_wait3A_75 : memref<640x16xf32, #tpu.memory_space<vmem_shared>>)
    %dma_wait3A_78 = arith.constant 0 : i32
    %dma_wait3A_79 = arith.constant 0 : i32
    %dma_wait3A_80 = tpu.memref_slice %arg3[%add3A, %dma_wait3A_78, %dma_wait3A_79] : memref<32x5x2000xi32, #tpu.memory_space<hbm>> -> memref<1x5x2000xi32, #tpu.memory_space<hbm>>
    %dma_wait3A_81 = tpu.memref_squeeze %dma_wait3A_80 : memref<1x5x2000xi32, #tpu.memory_space<hbm>> -> memref<5x2000xi32, #tpu.memory_space<hbm>>
    %dma_wait3A_82 = arith.constant 0 : i32
    %dma_wait3A_83 = arith.constant 0 : i32
    %dma_wait3A_84 = tpu.memref_slice %arg3[%add3A, %dma_wait3A_82, %dma_wait3A_83] : memref<32x5x2000xi32, #tpu.memory_space<hbm>> -> memref<1x5x2000xi32, #tpu.memory_space<hbm>>
    %dma_wait3A_85 = tpu.memref_squeeze %dma_wait3A_84 : memref<1x5x2000xi32, #tpu.memory_space<hbm>> -> memref<5x2000xi32, #tpu.memory_space<hbm>>
    tpu.wait_dma2 semaphore(%arg14 : memref<!tpu.dma_semaphore, #tpu.memory_space<semaphore_mem>>) src(%dma_wait3A_85 : memref<5x2000xi32, #tpu.memory_space<hbm>>) dst(%arg6 : memref<5x2000xi32, #tpu.memory_space<vmem>>)
    %dma_wait3A_86 = arith.constant 0 : i32
    %dma_wait3A_87 = arith.constant 0 : i32
    %dma_wait3A_88 = tpu.memref_slice %arg4[%add3A, %dma_wait3A_86, %dma_wait3A_87] : memref<32x5x2000xi32, #tpu.memory_space<hbm>> -> memref<1x5x2000xi32, #tpu.memory_space<hbm>>
    %dma_wait3A_89 = tpu.memref_squeeze %dma_wait3A_88 : memref<1x5x2000xi32, #tpu.memory_space<hbm>> -> memref<5x2000xi32, #tpu.memory_space<hbm>>
    %dma_wait3A_90 = arith.constant 0 : i32
    %dma_wait3A_91 = arith.constant 0 : i32
    %dma_wait3A_92 = tpu.memref_slice %arg4[%add3A, %dma_wait3A_90, %dma_wait3A_91] : memref<32x5x2000xi32, #tpu.memory_space<hbm>> -> memref<1x5x2000xi32, #tpu.memory_space<hbm>>
    %dma_wait3A_93 = tpu.memref_squeeze %dma_wait3A_92 : memref<1x5x2000xi32, #tpu.memory_space<hbm>> -> memref<5x2000xi32, #tpu.memory_space<hbm>>
    tpu.wait_dma2 semaphore(%arg15 : memref<!tpu.dma_semaphore, #tpu.memory_space<semaphore_mem>>) src(%dma_wait3A_93 : memref<5x2000xi32, #tpu.memory_space<hbm>>) dst(%arg7 : memref<5x2000xi32, #tpu.memory_space<vmem>>)
    %mul3A_94 = arith.constant 640 : i32
    %mul3A_95 = arith.muli %arg1, %mul3A_94 : i32
    %add3A_96 = arith.constant 0 : i32
    %add3A_97 = arith.addi %mul3A_95, %add3A_96 : i32
    %dma_wait3A_98 = arith.constant 0 : i32
    %dma_wait3A_99 = tpu.memref_slice %arg12[%add3A_97, %dma_wait3A_98] : memref<10240x16xf32, #tpu.memory_space<vmem_shared>> -> memref<128x16xf32, #tpu.memory_space<vmem_shared>>
    %dma_wait3A_100 = arith.constant 0 : i32
    %dma_wait3A_101 = tpu.memref_slice %arg12[%add3A_97, %dma_wait3A_100] : memref<10240x16xf32, #tpu.memory_space<vmem_shared>> -> memref<128x16xf32, #tpu.memory_space<vmem_shared>>
    tpu.wait_dma2 semaphore(%arg16 : memref<!tpu.dma_semaphore, #tpu.memory_space<semaphore_mem>>) src(%arg10 : memref<128x16xf32, #tpu.memory_space<vmem>>) dst(%dma_wait3A_101 : memref<128x16xf32, #tpu.memory_space<vmem_shared>>)
    %mul3A_102 = arith.constant 640 : i32
    %mul3A_103 = arith.muli %arg1, %mul3A_102 : i32
    %add3A_104 = arith.constant 128 : i32
    %add3A_105 = arith.addi %mul3A_103, %add3A_104 : i32
    %dma_wait3A_106 = arith.constant 0 : i32
    %dma_wait3A_107 = tpu.memref_slice %arg12[%add3A_105, %dma_wait3A_106] : memref<10240x16xf32, #tpu.memory_space<vmem_shared>> -> memref<128x16xf32, #tpu.memory_space<vmem_shared>>
    %dma_wait3A_108 = arith.constant 0 : i32
    %dma_wait3A_109 = tpu.memref_slice %arg12[%add3A_105, %dma_wait3A_108] : memref<10240x16xf32, #tpu.memory_space<vmem_shared>> -> memref<128x16xf32, #tpu.memory_space<vmem_shared>>
    tpu.wait_dma2 semaphore(%arg16 : memref<!tpu.dma_semaphore, #tpu.memory_space<semaphore_mem>>) src(%arg10 : memref<128x16xf32, #tpu.memory_space<vmem>>) dst(%dma_wait3A_109 : memref<128x16xf32, #tpu.memory_space<vmem_shared>>)
    %mul3A_110 = arith.constant 640 : i32
    %mul3A_111 = arith.muli %arg1, %mul3A_110 : i32
    %add3A_112 = arith.constant 256 : i32
    %add3A_113 = arith.addi %mul3A_111, %add3A_112 : i32
    %dma_wait3A_114 = arith.constant 0 : i32
    %dma_wait3A_115 = tpu.memref_slice %arg12[%add3A_113, %dma_wait3A_114] : memref<10240x16xf32, #tpu.memory_space<vmem_shared>> -> memref<128x16xf32, #tpu.memory_space<vmem_shared>>
    %dma_wait3A_116 = arith.constant 0 : i32
    %dma_wait3A_117 = tpu.memref_slice %arg12[%add3A_113, %dma_wait3A_116] : memref<10240x16xf32, #tpu.memory_space<vmem_shared>> -> memref<128x16xf32, #tpu.memory_space<vmem_shared>>
    tpu.wait_dma2 semaphore(%arg16 : memref<!tpu.dma_semaphore, #tpu.memory_space<semaphore_mem>>) src(%arg10 : memref<128x16xf32, #tpu.memory_space<vmem>>) dst(%dma_wait3A_117 : memref<128x16xf32, #tpu.memory_space<vmem_shared>>)
    %mul3A_118 = arith.constant 640 : i32
    %mul3A_119 = arith.muli %arg1, %mul3A_118 : i32
    %add3A_120 = arith.constant 384 : i32
    %add3A_121 = arith.addi %mul3A_119, %add3A_120 : i32
    %dma_wait3A_122 = arith.constant 0 : i32
    %dma_wait3A_123 = tpu.memref_slice %arg12[%add3A_121, %dma_wait3A_122] : memref<10240x16xf32, #tpu.memory_space<vmem_shared>> -> memref<128x16xf32, #tpu.memory_space<vmem_shared>>
    %dma_wait3A_124 = arith.constant 0 : i32
    %dma_wait3A_125 = tpu.memref_slice %arg12[%add3A_121, %dma_wait3A_124] : memref<10240x16xf32, #tpu.memory_space<vmem_shared>> -> memref<128x16xf32, #tpu.memory_space<vmem_shared>>
    tpu.wait_dma2 semaphore(%arg16 : memref<!tpu.dma_semaphore, #tpu.memory_space<semaphore_mem>>) src(%arg10 : memref<128x16xf32, #tpu.memory_space<vmem>>) dst(%dma_wait3A_125 : memref<128x16xf32, #tpu.memory_space<vmem_shared>>)
    %mul3A_126 = arith.constant 640 : i32
    %mul3A_127 = arith.muli %arg1, %mul3A_126 : i32
    %add3A_128 = arith.constant 512 : i32
    %add3A_129 = arith.addi %mul3A_127, %add3A_128 : i32
    %dma_wait3A_130 = arith.constant 0 : i32
    %dma_wait3A_131 = tpu.memref_slice %arg12[%add3A_129, %dma_wait3A_130] : memref<10240x16xf32, #tpu.memory_space<vmem_shared>> -> memref<128x16xf32, #tpu.memory_space<vmem_shared>>
    %dma_wait3A_132 = arith.constant 0 : i32
    %dma_wait3A_133 = tpu.memref_slice %arg12[%add3A_129, %dma_wait3A_132] : memref<10240x16xf32, #tpu.memory_space<vmem_shared>> -> memref<128x16xf32, #tpu.memory_space<vmem_shared>>
    tpu.wait_dma2 semaphore(%arg16 : memref<!tpu.dma_semaphore, #tpu.memory_space<semaphore_mem>>) src(%arg10 : memref<128x16xf32, #tpu.memory_space<vmem>>) dst(%dma_wait3A_133 : memref<128x16xf32, #tpu.memory_space<vmem_shared>>)
    %barrier3A = arith.constant 0 : index
    tpu.barrier barrier_id(%barrier3A)
    %dma_start3A_134 = arith.constant 0 : i32
    %dma_start3A_135 = arith.constant 0 : i32
    %dma_start3A_136 = tpu.memref_slice %arg6[%dma_start3A_134, %dma_start3A_135] : memref<5x2000xi32, #tpu.memory_space<vmem>> -> memref<1x2000xi32, #tpu.memory_space<vmem>>
    %dma_start3A_137 = tpu.memref_squeeze %dma_start3A_136 : memref<1x2000xi32, #tpu.memory_space<vmem>> -> memref<2000xi32, #tpu.memory_space<vmem>>
    %dma_start3A_138 = arith.constant 0 : i32
    %dma_start3A_139 = arith.constant 0 : i32
    %dma_start3A_140 = tpu.memref_slice %arg11[%dma_start3A_138, %dma_start3A_139] : memref<10240x16xf32, #tpu.memory_space<vmem_shared>> -> memref<10240x16xf32, #tpu.memory_space<vmem_shared>>
    tpu.enqueue_indirect_dma source(%dma_start3A_140 : memref<10240x16xf32, #tpu.memory_space<vmem_shared>>) target(%arg8 : memref<2000x16xf32, #tpu.memory_space<vmem>>) offsets(%dma_start3A_137 : memref<2000xi32, #tpu.memory_space<vmem>>) semaphore(%arg13 : memref<!tpu.dma_semaphore, #tpu.memory_space<semaphore_mem>>)
    %dma_start3A_141 = arith.constant 1 : i32
    %dma_start3A_142 = arith.constant 0 : i32
    %dma_start3A_143 = tpu.memref_slice %arg6[%dma_start3A_141, %dma_start3A_142] : memref<5x2000xi32, #tpu.memory_space<vmem>> -> memref<1x2000xi32, #tpu.memory_space<vmem>>
    %dma_start3A_144 = tpu.memref_squeeze %dma_start3A_143 : memref<1x2000xi32, #tpu.memory_space<vmem>> -> memref<2000xi32, #tpu.memory_space<vmem>>
    %dma_start3A_145 = arith.constant 0 : i32
    %dma_start3A_146 = arith.constant 0 : i32
    %dma_start3A_147 = tpu.memref_slice %arg11[%dma_start3A_145, %dma_start3A_146] : memref<10240x16xf32, #tpu.memory_space<vmem_shared>> -> memref<10240x16xf32, #tpu.memory_space<vmem_shared>>
    tpu.enqueue_indirect_dma source(%dma_start3A_147 : memref<10240x16xf32, #tpu.memory_space<vmem_shared>>) target(%arg9 : memref<2000x16xf32, #tpu.memory_space<vmem>>) offsets(%dma_start3A_144 : memref<2000xi32, #tpu.memory_space<vmem>>) semaphore(%arg14 : memref<!tpu.dma_semaphore, #tpu.memory_space<semaphore_mem>>)
    %scan3A_148 = arith.constant 0 : i32
    %scan3A_149 = arith.constant 0 : i32
    %scan3A_150 = arith.constant 2 : i32
    %scan3A_151 = arith.addi %scan3A_149, %scan3A_150 : i32
    %scan3A_152 = arith.constant 1 : i32
    %scan3A_153 = scf.for %scan3A_167 = %scan3A_149 to %scan3A_151 step %scan3A_152 iter_args(%scan3A_168 = %scan3A_148) -> (i32)  : i32 {
      %mul3A_169 = arith.constant 2 : i32
      %mul3A_170 = arith.muli %mul3A_169, %scan3A_167 : i32
      %add3A_171 = arith.constant 1 : i32
      %add3A_172 = arith.addi %mul3A_170, %add3A_171 : i32
      %dma_wait3A_173 = arith.constant 0 : i32
      %dma_wait3A_174 = tpu.memref_slice %arg6[%mul3A_170, %dma_wait3A_173] : memref<5x2000xi32, #tpu.memory_space<vmem>> -> memref<1x2000xi32, #tpu.memory_space<vmem>>
      %dma_wait3A_175 = tpu.memref_squeeze %dma_wait3A_174 : memref<1x2000xi32, #tpu.memory_space<vmem>> -> memref<2000xi32, #tpu.memory_space<vmem>>
      %dma_wait3A_176 = arith.constant 0 : i32
      %dma_wait3A_177 = arith.constant 0 : i32
      %dma_wait3A_178 = tpu.memref_slice %arg11[%dma_wait3A_176, %dma_wait3A_177] : memref<10240x16xf32, #tpu.memory_space<vmem_shared>> -> memref<10240x16xf32, #tpu.memory_space<vmem_shared>>
      tpu.wait_indirect_dma semaphore(%arg13 : memref<!tpu.dma_semaphore, #tpu.memory_space<semaphore_mem>>) src(%dma_wait3A_178 : memref<10240x16xf32, #tpu.memory_space<vmem_shared>>) dst(%arg8 : memref<2000x16xf32, #tpu.memory_space<vmem>>)
      %dma_start3A_179 = arith.constant 0 : i32
      %dma_start3A_180 = tpu.memref_slice %arg7[%mul3A_170, %dma_start3A_179] : memref<5x2000xi32, #tpu.memory_space<vmem>> -> memref<1x2000xi32, #tpu.memory_space<vmem>>
      %dma_start3A_181 = tpu.memref_squeeze %dma_start3A_180 : memref<1x2000xi32, #tpu.memory_space<vmem>> -> memref<2000xi32, #tpu.memory_space<vmem>>
      %dma_start3A_182 = arith.constant 0 : i32
      %dma_start3A_183 = arith.constant 0 : i32
      %dma_start3A_184 = tpu.memref_slice %arg12[%dma_start3A_182, %dma_start3A_183] : memref<10240x16xf32, #tpu.memory_space<vmem_shared>> -> memref<10240x16xf32, #tpu.memory_space<vmem_shared>>
      tpu.enqueue_indirect_dma source(%arg8 : memref<2000x16xf32, #tpu.memory_space<vmem>>) target(%dma_start3A_184 : memref<10240x16xf32, #tpu.memory_space<vmem_shared>>) offsets(%dma_start3A_181 : memref<2000xi32, #tpu.memory_space<vmem>>) semaphore(%arg15 : memref<!tpu.dma_semaphore, #tpu.memory_space<semaphore_mem>>) {add = true}
      %dma_wait3A_185 = arith.constant 0 : i32
      %dma_wait3A_186 = tpu.memref_slice %arg6[%add3A_172, %dma_wait3A_185] : memref<5x2000xi32, #tpu.memory_space<vmem>> -> memref<1x2000xi32, #tpu.memory_space<vmem>>
      %dma_wait3A_187 = tpu.memref_squeeze %dma_wait3A_186 : memref<1x2000xi32, #tpu.memory_space<vmem>> -> memref<2000xi32, #tpu.memory_space<vmem>>
      %dma_wait3A_188 = arith.constant 0 : i32
      %dma_wait3A_189 = arith.constant 0 : i32
      %dma_wait3A_190 = tpu.memref_slice %arg11[%dma_wait3A_188, %dma_wait3A_189] : memref<10240x16xf32, #tpu.memory_space<vmem_shared>> -> memref<10240x16xf32, #tpu.memory_space<vmem_shared>>
      tpu.wait_indirect_dma semaphore(%arg14 : memref<!tpu.dma_semaphore, #tpu.memory_space<semaphore_mem>>) src(%dma_wait3A_190 : memref<10240x16xf32, #tpu.memory_space<vmem_shared>>) dst(%arg9 : memref<2000x16xf32, #tpu.memory_space<vmem>>)
      %dma_start3A_191 = arith.constant 0 : i32
      %dma_start3A_192 = tpu.memref_slice %arg7[%add3A_172, %dma_start3A_191] : memref<5x2000xi32, #tpu.memory_space<vmem>> -> memref<1x2000xi32, #tpu.memory_space<vmem>>
      %dma_start3A_193 = tpu.memref_squeeze %dma_start3A_192 : memref<1x2000xi32, #tpu.memory_space<vmem>> -> memref<2000xi32, #tpu.memory_space<vmem>>
      %dma_start3A_194 = arith.constant 0 : i32
      %dma_start3A_195 = arith.constant 0 : i32
      %dma_start3A_196 = tpu.memref_slice %arg12[%dma_start3A_194, %dma_start3A_195] : memref<10240x16xf32, #tpu.memory_space<vmem_shared>> -> memref<10240x16xf32, #tpu.memory_space<vmem_shared>>
      tpu.enqueue_indirect_dma source(%arg9 : memref<2000x16xf32, #tpu.memory_space<vmem>>) target(%dma_start3A_196 : memref<10240x16xf32, #tpu.memory_space<vmem_shared>>) offsets(%dma_start3A_193 : memref<2000xi32, #tpu.memory_space<vmem>>) semaphore(%arg16 : memref<!tpu.dma_semaphore, #tpu.memory_space<semaphore_mem>>) {add = true}
      %dma_wait3A_197 = arith.constant 0 : i32
      %dma_wait3A_198 = tpu.memref_slice %arg7[%mul3A_170, %dma_wait3A_197] : memref<5x2000xi32, #tpu.memory_space<vmem>> -> memref<1x2000xi32, #tpu.memory_space<vmem>>
      %dma_wait3A_199 = tpu.memref_squeeze %dma_wait3A_198 : memref<1x2000xi32, #tpu.memory_space<vmem>> -> memref<2000xi32, #tpu.memory_space<vmem>>
      %dma_wait3A_200 = arith.constant 0 : i32
      %dma_wait3A_201 = arith.constant 0 : i32
      %dma_wait3A_202 = tpu.memref_slice %arg12[%dma_wait3A_200, %dma_wait3A_201] : memref<10240x16xf32, #tpu.memory_space<vmem_shared>> -> memref<10240x16xf32, #tpu.memory_space<vmem_shared>>
      tpu.wait_indirect_dma semaphore(%arg15 : memref<!tpu.dma_semaphore, #tpu.memory_space<semaphore_mem>>) src(%arg8 : memref<2000x16xf32, #tpu.memory_space<vmem>>) dst(%dma_wait3A_202 : memref<10240x16xf32, #tpu.memory_space<vmem_shared>>)
      %add3A_203 = arith.constant 2 : i32
      %add3A_204 = arith.addi %mul3A_170, %add3A_203 : i32
      %dma_start3A_205 = arith.constant 0 : i32
      %dma_start3A_206 = tpu.memref_slice %arg6[%add3A_204, %dma_start3A_205] : memref<5x2000xi32, #tpu.memory_space<vmem>> -> memref<1x2000xi32, #tpu.memory_space<vmem>>
      %dma_start3A_207 = tpu.memref_squeeze %dma_start3A_206 : memref<1x2000xi32, #tpu.memory_space<vmem>> -> memref<2000xi32, #tpu.memory_space<vmem>>
      %dma_start3A_208 = arith.constant 0 : i32
      %dma_start3A_209 = arith.constant 0 : i32
      %dma_start3A_210 = tpu.memref_slice %arg11[%dma_start3A_208, %dma_start3A_209] : memref<10240x16xf32, #tpu.memory_space<vmem_shared>> -> memref<10240x16xf32, #tpu.memory_space<vmem_shared>>
      tpu.enqueue_indirect_dma source(%dma_start3A_210 : memref<10240x16xf32, #tpu.memory_space<vmem_shared>>) target(%arg8 : memref<2000x16xf32, #tpu.memory_space<vmem>>) offsets(%dma_start3A_207 : memref<2000xi32, #tpu.memory_space<vmem>>) semaphore(%arg13 : memref<!tpu.dma_semaphore, #tpu.memory_space<semaphore_mem>>)
      %dma_wait3A_211 = arith.constant 0 : i32
      %dma_wait3A_212 = tpu.memref_slice %arg7[%add3A_172, %dma_wait3A_211] : memref<5x2000xi32, #tpu.memory_space<vmem>> -> memref<1x2000xi32, #tpu.memory_space<vmem>>
      %dma_wait3A_213 = tpu.memref_squeeze %dma_wait3A_212 : memref<1x2000xi32, #tpu.memory_space<vmem>> -> memref<2000xi32, #tpu.memory_space<vmem>>
      %dma_wait3A_214 = arith.constant 0 : i32
      %dma_wait3A_215 = arith.constant 0 : i32
      %dma_wait3A_216 = tpu.memref_slice %arg12[%dma_wait3A_214, %dma_wait3A_215] : memref<10240x16xf32, #tpu.memory_space<vmem_shared>> -> memref<10240x16xf32, #tpu.memory_space<vmem_shared>>
      tpu.wait_indirect_dma semaphore(%arg16 : memref<!tpu.dma_semaphore, #tpu.memory_space<semaphore_mem>>) src(%arg9 : memref<2000x16xf32, #tpu.memory_space<vmem>>) dst(%dma_wait3A_216 : memref<10240x16xf32, #tpu.memory_space<vmem_shared>>)
      %add3A_217 = arith.constant 2 : i32
      %add3A_218 = arith.addi %add3A_172, %add3A_217 : i32
      %lt3A = arith.constant 5 : i32
      %lt3A_219 = arith.cmpi slt, %add3A_218, %lt3A : i32
      %convert_element_type3A = arith.extui %lt3A_219 : i1 to i32
      %cond3A = arith.constant 0 : i32
      %cond3A_220 = arith.cmpi ne, %convert_element_type3A, %cond3A : i32
      scf.if %cond3A_220 {
        %add3A_222 = arith.constant 2 : i32
        %add3A_223 = arith.addi %add3A_172, %add3A_222 : i32
        %dma_start3A_224 = arith.constant 0 : i32
        %dma_start3A_225 = tpu.memref_slice %arg6[%add3A_223, %dma_start3A_224] : memref<5x2000xi32, #tpu.memory_space<vmem>> -> memref<1x2000xi32, #tpu.memory_space<vmem>>
        %dma_start3A_226 = tpu.memref_squeeze %dma_start3A_225 : memref<1x2000xi32, #tpu.memory_space<vmem>> -> memref<2000xi32, #tpu.memory_space<vmem>>
        %dma_start3A_227 = arith.constant 0 : i32
        %dma_start3A_228 = arith.constant 0 : i32
        %dma_start3A_229 = tpu.memref_slice %arg11[%dma_start3A_227, %dma_start3A_228] : memref<10240x16xf32, #tpu.memory_space<vmem_shared>> -> memref<10240x16xf32, #tpu.memory_space<vmem_shared>>
        tpu.enqueue_indirect_dma source(%dma_start3A_229 : memref<10240x16xf32, #tpu.memory_space<vmem_shared>>) target(%arg9 : memref<2000x16xf32, #tpu.memory_space<vmem>>) offsets(%dma_start3A_226 : memref<2000xi32, #tpu.memory_space<vmem>>) semaphore(%arg14 : memref<!tpu.dma_semaphore, #tpu.memory_space<semaphore_mem>>)
      } else {
      }
      %scan3A_221 = arith.constant 0 : i32
      scf.yield %scan3A_221 : i32
    }
    %scan3A_154 = arith.constant 2 : i32
    %dma_wait3A_155 = arith.constant 4 : i32
    %dma_wait3A_156 = arith.constant 0 : i32
    %dma_wait3A_157 = tpu.memref_slice %arg6[%dma_wait3A_155, %dma_wait3A_156] : memref<5x2000xi32, #tpu.memory_space<vmem>> -> memref<1x2000xi32, #tpu.memory_space<vmem>>
    %dma_wait3A_158 = tpu.memref_squeeze %dma_wait3A_157 : memref<1x2000xi32, #tpu.memory_space<vmem>> -> memref<2000xi32, #tpu.memory_space<vmem>>
    %dma_wait3A_159 = arith.constant 0 : i32
    %dma_wait3A_160 = arith.constant 0 : i32
    %dma_wait3A_161 = tpu.memref_slice %arg11[%dma_wait3A_159, %dma_wait3A_160] : memref<10240x16xf32, #tpu.memory_space<vmem_shared>> -> memref<10240x16xf32, #tpu.memory_space<vmem_shared>>
    tpu.wait_indirect_dma semaphore(%arg13 : memref<!tpu.dma_semaphore, #tpu.memory_space<semaphore_mem>>) src(%dma_wait3A_161 : memref<10240x16xf32, #tpu.memory_space<vmem_shared>>) dst(%arg8 : memref<2000x16xf32, #tpu.memory_space<vmem>>)
    %run_scoped3A = arith.constant 4 : i32
    "tpu.region"() ({
      %run_scoped3A_167 = tpu.sem_alloc : memref<!tpu.dma_semaphore, #tpu.memory_space<semaphore_mem>>
      %dma_start3A_168 = arith.constant 0 : i32
      %dma_start3A_169 = tpu.memref_slice %arg7[%run_scoped3A, %dma_start3A_168] : memref<5x2000xi32, #tpu.memory_space<vmem>> -> memref<1x2000xi32, #tpu.memory_space<vmem>>
      %dma_start3A_170 = tpu.memref_squeeze %dma_start3A_169 : memref<1x2000xi32, #tpu.memory_space<vmem>> -> memref<2000xi32, #tpu.memory_space<vmem>>
      %dma_start3A_171 = arith.constant 0 : i32
      %dma_start3A_172 = arith.constant 0 : i32
      %dma_start3A_173 = tpu.memref_slice %arg12[%dma_start3A_171, %dma_start3A_172] : memref<10240x16xf32, #tpu.memory_space<vmem_shared>> -> memref<10240x16xf32, #tpu.memory_space<vmem_shared>>
      tpu.enqueue_indirect_dma source(%arg8 : memref<2000x16xf32, #tpu.memory_space<vmem>>) target(%dma_start3A_173 : memref<10240x16xf32, #tpu.memory_space<vmem_shared>>) offsets(%dma_start3A_170 : memref<2000xi32, #tpu.memory_space<vmem>>) semaphore(%run_scoped3A_167 : memref<!tpu.dma_semaphore, #tpu.memory_space<semaphore_mem>>) {add = true}
      %dma_wait3A_174 = arith.constant 0 : i32
      %dma_wait3A_175 = tpu.memref_slice %arg7[%run_scoped3A, %dma_wait3A_174] : memref<5x2000xi32, #tpu.memory_space<vmem>> -> memref<1x2000xi32, #tpu.memory_space<vmem>>
      %dma_wait3A_176 = tpu.memref_squeeze %dma_wait3A_175 : memref<1x2000xi32, #tpu.memory_space<vmem>> -> memref<2000xi32, #tpu.memory_space<vmem>>
      %dma_wait3A_177 = arith.constant 0 : i32
      %dma_wait3A_178 = arith.constant 0 : i32
      %dma_wait3A_179 = tpu.memref_slice %arg12[%dma_wait3A_177, %dma_wait3A_178] : memref<10240x16xf32, #tpu.memory_space<vmem_shared>> -> memref<10240x16xf32, #tpu.memory_space<vmem_shared>>
      tpu.wait_indirect_dma semaphore(%run_scoped3A_167 : memref<!tpu.dma_semaphore, #tpu.memory_space<semaphore_mem>>) src(%arg8 : memref<2000x16xf32, #tpu.memory_space<vmem>>) dst(%dma_wait3A_179 : memref<10240x16xf32, #tpu.memory_space<vmem_shared>>)
      tpu.yield
    }) : () -> ()
    %barrier3A_162 = arith.constant 0 : index
    tpu.barrier barrier_id(%barrier3A_162)
    %mul3A_163 = arith.constant 640 : i32
    %mul3A_164 = arith.muli %arg1, %mul3A_163 : i32
    %mul3A_165 = arith.constant 640 : i32
    %mul3A_166 = arith.muli %arg1, %mul3A_165 : i32
    "tpu.region"() ({
      %run_scoped3A_167 = tpu.sem_alloc : memref<!tpu.dma_semaphore, #tpu.memory_space<semaphore_mem>>
      %dma_start3A_168 = arith.constant 0 : i32
      %dma_start3A_169 = tpu.memref_slice %arg5[%arg0, %mul3A_166, %dma_start3A_168] : memref<2x10240x16xf32, #tpu.memory_space<hbm>> -> memref<1x640x16xf32, #tpu.memory_space<hbm>>
      %dma_start3A_170 = tpu.memref_squeeze %dma_start3A_169 : memref<1x640x16xf32, #tpu.memory_space<hbm>> -> memref<640x16xf32, #tpu.memory_space<hbm>>
      %dma_start3A_171 = arith.constant 0 : i32
      %dma_start3A_172 = tpu.memref_slice %arg12[%mul3A_164, %dma_start3A_171] : memref<10240x16xf32, #tpu.memory_space<vmem_shared>> -> memref<640x16xf32, #tpu.memory_space<vmem_shared>>
      tpu.enqueue_dma source(%dma_start3A_172 : memref<640x16xf32, #tpu.memory_space<vmem_shared>>) target(%dma_start3A_170 : memref<640x16xf32, #tpu.memory_space<hbm>>) target_semaphore(%run_scoped3A_167 : memref<!tpu.dma_semaphore, #tpu.memory_space<semaphore_mem>>)
      %dma_wait3A_173 = arith.constant 0 : i32
      %dma_wait3A_174 = tpu.memref_slice %arg5[%arg0, %mul3A_166, %dma_wait3A_173] : memref<2x10240x16xf32, #tpu.memory_space<hbm>> -> memref<1x640x16xf32, #tpu.memory_space<hbm>>
      %dma_wait3A_175 = tpu.memref_squeeze %dma_wait3A_174 : memref<1x640x16xf32, #tpu.memory_space<hbm>> -> memref<640x16xf32, #tpu.memory_space<hbm>>
      %dma_wait3A_176 = arith.constant 0 : i32
      %dma_wait3A_177 = tpu.memref_slice %arg12[%mul3A_164, %dma_wait3A_176] : memref<10240x16xf32, #tpu.memory_space<vmem_shared>> -> memref<640x16xf32, #tpu.memory_space<vmem_shared>>
      tpu.wait_dma2 semaphore(%run_scoped3A_167 : memref<!tpu.dma_semaphore, #tpu.memory_space<semaphore_mem>>) src(%dma_wait3A_177 : memref<640x16xf32, #tpu.memory_space<vmem_shared>>) dst(%dma_wait3A_175 : memref<640x16xf32, #tpu.memory_space<hbm>>)
      tpu.yield
    }) : () -> ()
    return
  }
}

module attributes {stable_mosaic.version = 14 : i64} {
  func.func @body(%arg0: i32, %arg1: memref<1024x128xf32, #tpu.memory_space<vmem>>, %arg2: memref<128x32xf32, #tpu.memory_space<vmem>>, %arg3: memref<1024x16xf32, #tpu.memory_space<vmem>>, %arg4: memref<1024x16xf32, #tpu.memory_space<vmem>>) attributes {dimension_semantics = [#tpu.dimension_semantics<arbitrary>], iteration_bounds = array<i64: 10>, scalar_prefetch = 0 : i64, scratch_operands = 0 : i64, tpu.core_type = #tpu.core_type<tc>, window_params = [{transform_indices = @transform_0, window_bounds = array<i64: 1024, 128>}, {pipeline_mode = #tpu.pipeline_mode<synchronous>, transform_indices = @transform_1, window_bounds = array<i64: 128, 32>}, {transform_indices = @transform_2, window_bounds = array<i64: 1024, 16>}, {transform_indices = @transform_3, window_bounds = array<i64: 1024, 16>}]} {
    %get3A = arith.constant 0 : index
    %get3A_0 = arith.constant 0 : index
    %get3A_1 = vector.load %arg1[%get3A, %get3A_0] : memref<1024x128xf32, #tpu.memory_space<vmem>>, vector<1024x128xf32>
    %get3A_2 = arith.constant 0 : index
    %get3A_3 = arith.constant 0 : index
    %get3A_4 = vector.load %arg2[%get3A_2, %get3A_3] : memref<128x32xf32, #tpu.memory_space<vmem>>, vector<128x32xf32>
    %dot_general3A = arith.constant dense<0.000000e+00> : vector<1024x32xf32>
    %dot_general3A_5 = tpu.matmul %get3A_1, %get3A_4, %dot_general3A {dimension_numbers = #tpu.dot_dimension_numbers<[1], [0], [0], [1], [0, 0, 1, 1], [], []>, transpose_lhs_hint = false} : vector<1024x128xf32>, vector<128x32xf32>, vector<1024x32xf32> -> vector<1024x32xf32>
    %slice3A = vector.extract_strided_slice %dot_general3A_5 {offsets = [0, 0], sizes = [1024, 16], strides = [1, 1]} : vector<1024x32xf32> to vector<1024x16xf32>
    %swap3A = arith.constant 0 : index
    %swap3A_6 = arith.constant 0 : index
    %swap3A_7 = vector.load %arg3[%swap3A, %swap3A_6] : memref<1024x16xf32, #tpu.memory_space<vmem>>, vector<1024x16xf32>
    tpu.vector_store %arg3[%swap3A, %swap3A_6], %slice3A {strides = array<i32>} : memref<1024x16xf32, #tpu.memory_space<vmem>>, vector<1024x16xf32>,
    %slice3A_8 = vector.extract_strided_slice %dot_general3A_5 {offsets = [0, 16], sizes = [1024, 16], strides = [1, 1]} : vector<1024x32xf32> to vector<1024x16xf32>
    %swap3A_9 = arith.constant 0 : index
    %swap3A_10 = arith.constant 0 : index
    %swap3A_11 = vector.load %arg4[%swap3A_9, %swap3A_10] : memref<1024x16xf32, #tpu.memory_space<vmem>>, vector<1024x16xf32>
    tpu.vector_store %arg4[%swap3A_9, %swap3A_10], %slice3A_8 {strides = array<i32>} : memref<1024x16xf32, #tpu.memory_space<vmem>>, vector<1024x16xf32>,
    return
  }
  func.func @transform_0(%arg0: i32) -> (i32, i32) {
    %c0_i32 = arith.constant 0 : i32
    %c0_i32_0 = arith.constant 0 : i32
    return %arg0, %c0_i32 : i32, i32
  }
  func.func @transform_1(%arg0: i32) -> (i32, i32) {
    %c0_i32 = arith.constant 0 : i32
    %c0_i32_0 = arith.constant 0 : i32
    %c0_i32_1 = arith.constant 0 : i32
    return %c0_i32, %c0_i32_0 : i32, i32
  }
  func.func @transform_2(%arg0: i32) -> (i32, i32) {
    %c0_i32 = arith.constant 0 : i32
    %c0_i32_0 = arith.constant 0 : i32
    return %arg0, %c0_i32 : i32, i32
  }
  func.func @transform_3(%arg0: i32) -> (i32, i32) {
    %c0_i32 = arith.constant 0 : i32
    %c0_i32_0 = arith.constant 0 : i32
    return %arg0, %c0_i32 : i32, i32
  }
}

module attributes {stable_mosaic.version = 14 : i64} {
  func.func @body(%arg0: i32, %arg1: memref<2x1024x16xf32, #tpu.memory_space<vmem>>, %arg2: memref<1024x16xf32, #tpu.memory_space<vmem>>, %arg3: memref<1x16xf32, #tpu.memory_space<vmem>>, %arg4: memref<1x16xf32, #tpu.memory_space<vmem>>, %arg5: memref<1x16xf32, #tpu.memory_space<vmem>>, %arg6: memref<1024x16xf32, #tpu.memory_space<vmem>>, %arg7: memref<1024x16xf32, #tpu.memory_space<vmem>>) attributes {dimension_semantics = [#tpu.dimension_semantics<arbitrary>], iteration_bounds = array<i64: 10>, scalar_prefetch = 0 : i64, scratch_operands = 0 : i64, tpu.core_type = #tpu.core_type<tc>, window_params = [{transform_indices = @transform_0, window_bounds = array<i64: 2, 1024, 16>}, {transform_indices = @transform_1, window_bounds = array<i64: 1024, 16>}, {pipeline_mode = #tpu.pipeline_mode<synchronous>, transform_indices = @transform_2, window_bounds = array<i64: 1, 16>}, {pipeline_mode = #tpu.pipeline_mode<synchronous>, transform_indices = @transform_3, window_bounds = array<i64: 1, 16>}, {pipeline_mode = #tpu.pipeline_mode<synchronous>, transform_indices = @transform_4, window_bounds = array<i64: 1, 16>}, {transform_indices = @transform_5, window_bounds = array<i64: 1024, 16>}, {transform_indices = @transform_6, window_bounds = array<i64: 1024, 16>}]} {
    %get3A = arith.constant 0 : index
    %get3A_0 = arith.constant 0 : index
    %get3A_1 = arith.constant 0 : index
    %get3A_2 = vector.load %arg1[%get3A, %get3A_0, %get3A_1] : memref<2x1024x16xf32, #tpu.memory_space<vmem>>, vector<1x1024x16xf32>
    %get3A_3 = vector.shape_cast %get3A_2 : vector<1x1024x16xf32> to vector<1024x16xf32>
    %get3A_4 = arith.constant 1 : index
    %get3A_5 = arith.constant 0 : index
    %get3A_6 = arith.constant 0 : index
    %get3A_7 = vector.load %arg1[%get3A_4, %get3A_5, %get3A_6] : memref<2x1024x16xf32, #tpu.memory_space<vmem>>, vector<1x1024x16xf32>
    %get3A_8 = vector.shape_cast %get3A_7 : vector<1x1024x16xf32> to vector<1024x16xf32>
    %add3A = arith.addf %get3A_3, %get3A_8 : vector<1024x16xf32>
    %get3A_9 = arith.constant 0 : index
    %get3A_10 = arith.constant 0 : index
    %get3A_11 = vector.load %arg2[%get3A_9, %get3A_10] : memref<1024x16xf32, #tpu.memory_space<vmem>>, vector<1024x16xf32>
    %add3A_12 = arith.addf %add3A, %get3A_11 : vector<1024x16xf32>
    %get3A_13 = arith.constant 0 : index
    %get3A_14 = arith.constant 0 : index
    %get3A_15 = vector.load %arg3[%get3A_13, %get3A_14] : memref<1x16xf32, #tpu.memory_space<vmem>>, vector<1x16xf32>
    %add3A_16 = vector.broadcast %get3A_15 : vector<1x16xf32> to vector<1024x16xf32>
    %add3A_17 = arith.addf %add3A_12, %add3A_16 : vector<1024x16xf32>
    %max3A = arith.constant 0.000000e+00 : f32
    %max3A_18 = vector.broadcast %max3A : f32 to vector<1024x16xf32>
    %max3A_19 = arith.maximumf %add3A_17, %max3A_18 : vector<1024x16xf32>
    %get3A_20 = arith.constant 0 : index
    %get3A_21 = arith.constant 0 : index
    %get3A_22 = vector.load %arg4[%get3A_20, %get3A_21] : memref<1x16xf32, #tpu.memory_space<vmem>>, vector<1x16xf32>
    %mul3A = vector.broadcast %get3A_22 : vector<1x16xf32> to vector<1024x16xf32>
    %mul3A_23 = arith.mulf %max3A_19, %mul3A : vector<1024x16xf32>
    %swap3A = arith.constant 0 : index
    %swap3A_24 = arith.constant 0 : index
    %swap3A_25 = vector.load %arg6[%swap3A, %swap3A_24] : memref<1024x16xf32, #tpu.memory_space<vmem>>, vector<1024x16xf32>
    tpu.vector_store %arg6[%swap3A, %swap3A_24], %mul3A_23 {strides = array<i32>} : memref<1024x16xf32, #tpu.memory_space<vmem>>, vector<1024x16xf32>,
    %get3A_26 = arith.constant 0 : index
    %get3A_27 = arith.constant 0 : index
    %get3A_28 = vector.load %arg5[%get3A_26, %get3A_27] : memref<1x16xf32, #tpu.memory_space<vmem>>, vector<1x16xf32>
    %mul3A_29 = vector.broadcast %get3A_28 : vector<1x16xf32> to vector<1024x16xf32>
    %mul3A_30 = arith.mulf %max3A_19, %mul3A_29 : vector<1024x16xf32>
    %swap3A_31 = arith.constant 0 : index
    %swap3A_32 = arith.constant 0 : index
    %swap3A_33 = vector.load %arg7[%swap3A_31, %swap3A_32] : memref<1024x16xf32, #tpu.memory_space<vmem>>, vector<1024x16xf32>
    tpu.vector_store %arg7[%swap3A_31, %swap3A_32], %mul3A_30 {strides = array<i32>} : memref<1024x16xf32, #tpu.memory_space<vmem>>, vector<1024x16xf32>,
    return
  }
  func.func @transform_0(%arg0: i32) -> (i32, i32, i32) {
    %c0_i32 = arith.constant 0 : i32
    %c0_i32_0 = arith.constant 0 : i32
    %c0_i32_1 = arith.constant 0 : i32
    return %c0_i32, %arg0, %c0_i32_0 : i32, i32, i32
  }
  func.func @transform_1(%arg0: i32) -> (i32, i32) {
    %c0_i32 = arith.constant 0 : i32
    %c0_i32_0 = arith.constant 0 : i32
    return %arg0, %c0_i32 : i32, i32
  }
  func.func @transform_2(%arg0: i32) -> (i32, i32) {
    %c0_i32 = arith.constant 0 : i32
    %c0_i32_0 = arith.constant 0 : i32
    %c0_i32_1 = arith.constant 0 : i32
    return %c0_i32, %c0_i32_0 : i32, i32
  }
  func.func @transform_3(%arg0: i32) -> (i32, i32) {
    %c0_i32 = arith.constant 0 : i32
    %c0_i32_0 = arith.constant 0 : i32
    %c0_i32_1 = arith.constant 0 : i32
    return %c0_i32, %c0_i32_0 : i32, i32
  }
  func.func @transform_4(%arg0: i32) -> (i32, i32) {
    %c0_i32 = arith.constant 0 : i32
    %c0_i32_0 = arith.constant 0 : i32
    %c0_i32_1 = arith.constant 0 : i32
    return %c0_i32, %c0_i32_0 : i32, i32
  }
  func.func @transform_5(%arg0: i32) -> (i32, i32) {
    %c0_i32 = arith.constant 0 : i32
    %c0_i32_0 = arith.constant 0 : i32
    return %arg0, %c0_i32 : i32, i32
  }
  func.func @transform_6(%arg0: i32) -> (i32, i32) {
    %c0_i32 = arith.constant 0 : i32
    %c0_i32_0 = arith.constant 0 : i32
    return %arg0, %c0_i32 : i32, i32
  }
}

module attributes {stable_mosaic.version = 14 : i64} {
  func.func @body(%arg0: i32, %arg1: memref<2x1000x16xf32, #tpu.memory_space<vmem>>, %arg2: memref<1000x16xf32, #tpu.memory_space<vmem>>, %arg3: memref<1x1xf32, #tpu.memory_space<vmem>>, %arg4: memref<1000x1xf32, #tpu.memory_space<vmem>>) attributes {dimension_semantics = [#tpu.dimension_semantics<arbitrary>], iteration_bounds = array<i64: 10>, scalar_prefetch = 0 : i64, scratch_operands = 0 : i64, tpu.core_type = #tpu.core_type<tc>, window_params = [{transform_indices = @transform_0, window_bounds = array<i64: 2, 1000, 16>}, {transform_indices = @transform_1, window_bounds = array<i64: 1000, 16>}, {pipeline_mode = #tpu.pipeline_mode<synchronous>, transform_indices = @transform_2, window_bounds = array<i64: 1, 1>}, {transform_indices = @transform_3, window_bounds = array<i64: 1000, 1>}]} {
    %get3A = arith.constant 0 : index
    %get3A_0 = arith.constant 0 : index
    %get3A_1 = arith.constant 0 : index
    %get3A_2 = vector.load %arg1[%get3A, %get3A_0, %get3A_1] : memref<2x1000x16xf32, #tpu.memory_space<vmem>>, vector<1x1000x16xf32>
    %get3A_3 = vector.shape_cast %get3A_2 : vector<1x1000x16xf32> to vector<1000x16xf32>
    %get3A_4 = arith.constant 1 : index
    %get3A_5 = arith.constant 0 : index
    %get3A_6 = arith.constant 0 : index
    %get3A_7 = vector.load %arg1[%get3A_4, %get3A_5, %get3A_6] : memref<2x1000x16xf32, #tpu.memory_space<vmem>>, vector<1x1000x16xf32>
    %get3A_8 = vector.shape_cast %get3A_7 : vector<1x1000x16xf32> to vector<1000x16xf32>
    %add3A = arith.addf %get3A_3, %get3A_8 : vector<1000x16xf32>
    %get3A_9 = arith.constant 0 : index
    %get3A_10 = arith.constant 0 : index
    %get3A_11 = vector.load %arg2[%get3A_9, %get3A_10] : memref<1000x16xf32, #tpu.memory_space<vmem>>, vector<1000x16xf32>
    %add3A_12 = arith.addf %add3A, %get3A_11 : vector<1000x16xf32>
    %reduce_sum3A = arith.constant dense<0.000000e+00> : vector<1000xf32>
    %reduce_sum3A_13 = vector.multi_reduction <add>, %add3A_12, %reduce_sum3A [1] : vector<1000x16xf32> to vector<1000xf32>
    %broadcast_in_dim3A = vector.shape_cast %reduce_sum3A_13 : vector<1000xf32> to vector<1000x1xf32>
    %get3A_14 = arith.constant 0 : index
    %get3A_15 = arith.constant 0 : index
    %get3A_16 = vector.load %arg3[%get3A_14, %get3A_15] : memref<1x1xf32, #tpu.memory_space<vmem>>, vector<1x1xf32>
    %get3A_17 = vector.extract %get3A_16[0, 0] : f32 from vector<1x1xf32>
    %add3A_18 = vector.broadcast %get3A_17 : f32 to vector<1000x1xf32>
    %add3A_19 = arith.addf %broadcast_in_dim3A, %add3A_18 : vector<1000x1xf32>
    %swap3A = arith.constant 0 : index
    %swap3A_20 = arith.constant 0 : index
    %swap3A_21 = vector.load %arg4[%swap3A, %swap3A_20] : memref<1000x1xf32, #tpu.memory_space<vmem>>, vector<1000x1xf32>
    tpu.vector_store %arg4[%swap3A, %swap3A_20], %add3A_19 {strides = array<i32>} : memref<1000x1xf32, #tpu.memory_space<vmem>>, vector<1000x1xf32>,
    return
  }
  func.func @transform_0(%arg0: i32) -> (i32, i32, i32) {
    %c0_i32 = arith.constant 0 : i32
    %c0_i32_0 = arith.constant 0 : i32
    %c0_i32_1 = arith.constant 0 : i32
    return %c0_i32, %arg0, %c0_i32_0 : i32, i32, i32
  }
  func.func @transform_1(%arg0: i32) -> (i32, i32) {
    %c0_i32 = arith.constant 0 : i32
    %c0_i32_0 = arith.constant 0 : i32
    return %arg0, %c0_i32 : i32, i32
  }
  func.func @transform_2(%arg0: i32) -> (i32, i32) {
    %c0_i32 = arith.constant 0 : i32
    %c0_i32_0 = arith.constant 0 : i32
    %c0_i32_1 = arith.constant 0 : i32
    return %c0_i32, %c0_i32_0 : i32, i32
  }
  func.func @transform_3(%arg0: i32) -> (i32, i32) {
    %c0_i32 = arith.constant 0 : i32
    %c0_i32_0 = arith.constant 0 : i32
    return %arg0, %c0_i32 : i32, i32
  }
}

</mosaic_0001>

<sc_bundles>
// kernel: kernel.10.cloned.1.call-start
scs
__scs_entry_jumppad:
0x0: {  	(pc) =	sbr.rel $0x88, $3  }
0x1: {  	(tag) =	ssettag $0x0;
	lr =	simm.s32 $0x1  }
0x2: {  	[smem:$0x3F99] =	sst lr;
	_ =	strace $0xD0000000  }
0x3: {  	_ = 	snop  }
0x4: {  	_ = 	snop  }
0x5: {  	_ = 	snop  }
0x6: {  	_ = 	snop  }
0x7: {  	_ = 	snop  }
__scs_overlays_trampoline_lowered:
0x8: {  	[smem:$0x3FA8] =	sst s0  }
0x9: {  	[smem:$0x3FA9] =	sst s1  }
0xa: {  	[smem:$0x3FAA] =	sst s2  }
0xb: {  	[smem:$0x3FAB] =	sst s3  }
0xc: {  	[smem:$0x3FAC] =	sst s4  }
0xd: {  	[smem:$0x3FAD] =	sst s5  }
0xe: {  	[smem:$0x3FAE] =	sst s6  }
0xf: {  	[smem:$0x3FAF] =	sst s7  }
0x10: {  	[smem:$0x3FB0] =	sst s8  }
0x11: {  	[smem:$0x3FB1] =	sst s9;
	s0 =	simm.s32 @!p0 $0x0  }
0x12: {  	s1 =	sld [smem:$0x3F97];
	s0 =	simm.s32 @p0 $0x1  }
0x13: {  	[smem:$0x3FB2] =	sst s0;
	s0 =	simm.s32 @!p1 $0x0  }
0x14: {  	s2 =	sld [smem:$0x3F96];
	s0 =	simm.s32 @p1 $0x1  }
0x15: {  	[smem:$0x3FB3] =	sst s0;
	s0 =	simm.s32 @!p2 $0x0  }
0x16: {  	s3 =	sld [smem:$0x3FDB];
	s0 =	simm.s32 @p2 $0x1  }
0x17: {  	s4 =	simm.s32 $0x1BF5;
	[smem:$0x3FB5] =	sst s0  }
0x18: {  	s0 =	sld [smem:$0x3F98];
	_ =	swait.ge [sflag:s4], $0x0  }
0x19: {  	s7 =	sld [smem:$0x3F99]  }
0x1a: {  	s8 =	sadd.s32 $0xFFFFE003, lr  }
0x1b: {  	s9 =	sadd.s32 $0xFFFFFEF7, lr;
	s5 =	simm.s32 $0xFFFFFFFF;
	p2 =	slt.u32 s8, $0xFFFFF086  }
0x1c: {  	p1 =	slt.u32 s9, $0xF7A;
	s5 =	simm.s32 @!p2 $0x0  }
0x1d: {  	s5 =	simm.s32 @p1 $0x1;
	p0 =	seq.s32 s7, s2  }
0x1e: {  	s7 =	smul.u32 @!p0 $0xF7A, s2;
	p2 =	seq.s32 @!p0 s5, $0x0  }
0x1f: {  	s9 =	smul.u32 $0xF7A, s1;
	s8 =	simm.s32 @!p0 $0x1BF5;
	p2 =	por !p2, p0  }
0x20: {  	[sflag:s8] =	ssyncset.s32 @!p0 $0xFFFFF086;
	s6 =	sadd.s32 @!p0 s3, s7;
	s7 =	simm.s32 @!p0 $0x108  }
0x21: {  	s3 =	sadd.s32 s3, s9;
	s6 =	sadd.s32 @!p0 $0x88, s6;
	s7 =	simm.s32 @p2 $0x1082  }
0x22: {  	[simem:s7], [sflag:s8] =	dma.local @!p0 [hbm:s6], $0xF7A  }
0x23: {  	s9 =	sor.u32 $0xD0000000, s2;
	s6 =	simm.s32 $0x108;
	_ =	swait.ge @!p0 [sflag:s8], $0x0  }
0x24: {  	s3 =	sadd.s32 $0x88, s3;
	s6 =	simm.s32 @!p1 $0x1082;
	[sflag:s4] =	ssyncset.s32 $0xFFFFF086  }
0x25: {  	[simem:s6], [sflag:s4] =	dma.local [hbm:s3], $0xF7A  }
0x26: {  	[smem:$0x3F99] =	sst s1;
	(tag) =	ssettag s2;
	_ =	strace s9  }
0x27: {  	s1 =	sld [smem:$0x3FA9]  }
0x28: {  	s2 =	sld [smem:$0x3FAA]  }
0x29: {  	s4 =	sld [smem:$0x3FAC]  }
0x2a: {  	p0 =	seq.s32 s5, $0x0;
	s5 =	sld [smem:$0x3FAD]  }
0x2b: {  	s6 =	sld [smem:$0x3FAE]  }
0x2c: {  	s7 =	sld [smem:$0x3FAF]  }
0x2d: {  	s3 =	simm.s32 $0x108;
	s8 =	sld [smem:$0x3FB0]  }
0x2e: {  	s3 =	simm.s32 @!p0 $0x1082;
	s9 =	sld [smem:$0x3FB1]  }
0x2f: {  	lr =	sadd.s32 s0, s3;
	s0 =	sld [smem:$0x3FA8]  }
0x30: {  	s3 =	sld [smem:$0x3FAB]  }
0x31: {  	[smem:$0x3FB4] =	sst s10  }
0x32: {  	s10 =	sld [smem:$0x3FB2];
	_ =	sdelay $0x3  }
0x33: {  	p0 =	seq.s32 s10, $0x1;
	s10 =	sld [smem:$0x3FB4];
	_ =	sdelay $0x3  }
0x34: {  	[smem:$0x3FB4] =	sst s10  }
0x35: {  	s10 =	sld [smem:$0x3FB3];
	_ =	sdelay $0x3  }
0x36: {  	p1 =	seq.s32 s10, $0x1;
	s10 =	sld [smem:$0x3FB4];
	_ =	sdelay $0x3  }
0x37: {  	[smem:$0x3FB4] =	sst s10  }
0x38: {  	s10 =	sld [smem:$0x3FB5]  }
0x39: {  	_ = 	snop;
	(pc) =	sbr.ind lr, $3  }
0x3a: {  	_ = 	snop  }
0x3b: {  	_ = 	snop  }
0x3c: {  	p2 =	seq.s32 s10, $0x1;
	s10 =	sld [smem:$0x3FB4]  }
0x3d: {  	_ =	shalt  }
0x3e: {  	_ =	shalt  }
0x3f: {  	_ =	shalt  }
0x40: {  	_ =	shalt  }
0x41: {  	_ =	shalt  }
0x42: {  	_ =	shalt  }
0x43: {  	_ =	shalt  }
0x44: {  	_ =	shalt  }
0x45: {  	_ =	shalt  }
0x46: {  	_ =	shalt  }
0x47: {  	_ =	shalt  }
0x48: {  	_ =	shalt  }
0x49: {  	_ =	shalt  }
0x4a: {  	_ =	shalt  }
0x4b: {  	_ =	shalt  }
0x4c: {  	_ =	shalt  }
0x4d: {  	_ =	shalt  }
0x4e: {  	_ =	shalt  }
0x4f: {  	_ =	shalt  }
0x50: {  	_ =	shalt  }
0x51: {  	_ =	shalt  }
0x52: {  	_ =	shalt  }
0x53: {  	_ =	shalt  }
0x54: {  	_ =	shalt  }
0x55: {  	_ =	shalt  }
0x56: {  	_ =	shalt  }
0x57: {  	_ =	shalt  }
0x58: {  	_ =	shalt  }
0x59: {  	_ =	shalt  }
0x5a: {  	_ =	shalt  }
0x5b: {  	_ =	shalt  }
0x5c: {  	_ =	shalt  }
0x5d: {  	_ =	shalt  }
0x5e: {  	_ =	shalt  }
0x5f: {  	_ =	shalt  }
0x60: {  	_ =	shalt  }
0x61: {  	_ =	shalt  }
0x62: {  	_ =	shalt  }
0x63: {  	_ =	shalt  }
0x64: {  	_ =	shalt  }
0x65: {  	_ =	shalt  }
0x66: {  	_ =	shalt  }
0x67: {  	_ =	shalt  }
0x68: {  	_ =	shalt  }
0x69: {  	_ =	shalt  }
0x6a: {  	_ =	shalt  }
0x6b: {  	_ =	shalt  }
0x6c: {  	_ =	shalt  }
0x6d: {  	_ =	shalt  }
0x6e: {  	_ =	shalt  }
0x6f: {  	_ =	shalt  }
0x70: {  	_ =	shalt  }
0x71: {  	_ =	shalt  }
0x72: {  	_ =	shalt  }
0x73: {  	_ =	shalt  }
0x74: {  	_ =	shalt  }
0x75: {  	_ =	shalt  }
0x76: {  	_ =	shalt  }
0x77: {  	_ =	shalt  }
0x78: {  	_ =	shalt  }
0x79: {  	_ =	shalt  }
0x7a: {  	_ =	shalt  }
0x7b: {  	_ =	shalt  }
0x7c: {  	_ =	shalt  }
0x7d: {  	_ =	shalt  }
0x7e: {  	_ =	shalt  }
0x7f: {  	_ =	shalt  }
0x80: {  	_ =	shalt  }
0x81: {  	_ =	shalt  }
0x82: {  	_ =	shalt  }
0x83: {  	_ =	shalt  }
0x84: {  	_ =	shalt  }
0x85: {  	_ =	shalt  }
0x86: {  	_ =	shalt  }
0x87: {  	_ =	shalt  }
.Lfunc_end0:
.L_simem_size_0:
called_computation.1_lowered:
.L_overlay_start_0:
0x88: {  	s2 =	sld [smem:$0x3FD9]  }
0x89: {  	s3 =	sld [smem:$0x3FFE];
	_ =	sdelay $0x1  }
0x8a: {  	s1 =	srdreg.scid  }
0x8b: {  	s0 =	sand.u32 $0x1, s1  }
0x8c: {  	s16 =	sshll.u32 s0, $0xA;
	s2 =	sadd.s32 s3, s2  }
0x8d: {  	s2 =	sadd.s32 s2, s16  }
0x8e: {  	[smem:$0x3FC0] =	sst s2  }
0x8f: {  	_ = 	snop  }
0x90: {  	(tm) =	ssettm $0x1  }
0x91: {  	s17 =	sld [smem:$0x3FFB];
	_ =	sdelay $0x3  }
0x92: {  	_ =	strace s17  }
0x93: {  	s2 =	sld [smem:$0x3FFC];
	_ =	sdelay $0x3  }
0x94: {  	_ =	strace s2  }
0x95: {  	s2 =	sld [smem:$0x3FFD];
	_ =	sdelay $0x3  }
0x96: {  	_ =	strace s2  }
0x97: {  	_ =	strace $0x8FFFFFFF  }
0x98: {  	s18 =	sld [smem:$0x3FDB];
	_ =	sdelay $0x1  }
0x99: {  	s19 =	simm.s32 $_scs_section_size  }
0x9a: {  	s4 =	simm.s32 $_size__tile_overlayer_lowered;
	s5 =	simm.s32 $_tile_overlayer_lowered  }
0x9b: {  	s22 =	simm.s32 $0x1BFF;
	s21 =	sshll.u32 s5, $0x1;
	s2 =	sadd.s32 s19, s18  }
0x9c: {  	s6 =	simm.s32 $0x0;
	s20 =	sshll.u32 s4, $0x1;
	s4 =	sadd.s32 s21, s2  }
0x9d: {  	[timem:s6], [sflag:s22] =	dma.local [hbm:s4], s20  }
0x9e: {  	_ =	swait.ge [sflag:s22], s20  }
0x9f: {  	s3 =	ssub.s32 $0x0, s20;
	[sflag:s22] =	ssyncset.done $0x0  }
0xa0: {  	[sflag:s22] =	ssyncadd.s32 s3;
	_ =	sdelay $0x1  }
0xa1: {  	s23 =	simm.s32 $0x1B8B  }
0xa2: {  	_ =	swait.ge [sflag:s23], $0x1  }
0xa3: {  	[sflag:s23] =	ssyncset.done $0x0  }
0xa4: {  	s25 =	simm.s32 $0x1B8E;
	s24 =	sld [smem:$0x3FFE];
	[sflag:s23] =	ssyncadd.s32 $0xFFFFFFFF  }
0xa5: {  	s26 =	simm.s32 $execute0_lowered;
	[smem:$0x3FD2] =	sst s25  }
0xa6: {  	s4 =	sshll.u32 s26, $0x1;
	_ =	strace $0x80000049;
	[dreg:$0x1] =	wrdreg $0xFFFFFFFF  }
0xa7: {  	s28 =	simm.s32 $_size_execute0_lowered;
	s2 =	sadd.s32 s2, s4;
	[dreg:$0x0] =	wrdreg $0x0  }
0xa8: {  	s4 =	sshll.u32 s28, $0x1;
	[dreg:$0x2] =	wrdreg s2  }
0xa9: {  	[dreg:$0x3] =	wrdreg s4  }
0xaa: {  	[dreg:$0x4] =	wrdreg $0xC0  }
0xab: {  	_ =	task [dreg:s6], $0x5FFFF  }
0xac: {  	[dreg:$0x1] =	wrdreg $0xFFFFFFFF  }
0xad: {  	[dreg:$0x0] =	wrdreg $0x60  }
0xae: {  	[dreg:$0x2] =	wrdreg s24  }
0xaf: {  	[dreg:$0x3] =	wrdreg $0x150200  }
0xb0: {  	[dreg:$0x4] =	wrdreg $0x178200  }
0xb1: {  	[dreg:$0x5] =	wrdreg $0x9  }
0xb2: {  	_ =	task.clear_ibuf [dreg:s6], $0x6FFFF;
	_ =	strace $0x90000049  }
0xb3: {  	s29 =	simm.s32 $0x9;
	_ =	strace $0x8000004B  }
0xb4: {  	_ =	swait.ge [sflag:s29], $0x1  }
0xb5: {  	[sflag:s29] =	ssyncadd.s32 $0xFFFFFFFF  }
0xb6: {  	_ =	strace $0x9000004B  }
0xb7: {  	_ =	sfence  }
0xb8: {  	s30 =	sld [smem:$0x0];
	_ =	sdelay $0x2  }
0xb9: {  	s31 =	sshll.u32 s1, $0xD;
	s1 =	sshrl.u32 s1, $0x2  }
0xba: {  	s3 =	sand.u32 $0x4000, s31;
	s1 =	sadd.s32 s1, s30  }
0xbb: {  	s0 =	sor.u32 s3, s0;
	s1 =	sshll.u32 s1, $0x11  }
0xbc: {  	s0 =	sor.u32 s1, s0  }
0xbd: {  	s0 =	sadd.s32 $0x8F2B, s0  }
0xbe: {  	[sflag:s0] =	ssyncadd.remote.s32 $0x1  }
0xbf: {  	_ =	sfence.sel $0xFFFF  }
0xc0: {  	[dreg:$0x0] =	wrdreg $0xFFFFFFFF;
	(pc) =	sbr.abs _section_cstart, $3  }
0xc1: {  	[dreg:$0x1] =	wrdreg $0xFFFFFFFF  }
0xc2: {  	_ =	task.clear_ibuf [dreg:s6], $0x2FFFF;
	_ =	strace $0x9FFFFFFF  }
0xc3: {  	(tm) =	ssettm $0x7FFFFFFF  }
tec
execute0_lowered:
.L_overlay_start_1:
0x0: {  	(tag) =	ssettag $0x1  }
0x1: {  	s1 =	rddreg [dreg:$0x0]  }
0x2: {  	s0 =	srdreg.scid;
	s2 =	rddreg [dreg:$0x1]  }
0x3: {  	s11 =	stileid.u32;
	s3 =	rddreg [dreg:$0x2]  }
0x4: {  	s18 =	simm.s32 $0x2710;
	s19 =	simm.s32 $0x14820;
	s20 =	simm.s32 $0x1  }
0x5: {  	s21 =	simm.s32 $0x2;
	s22 =	simm.s32 $0x3;
	s23 =	simm.s32 $0x4  }
0x6: {  	s24 =	simm.s32 $0x7D0;
	s28 =	simm.s32 $0x4650;
	s10 =	smul.u32 $0x2800, s11  }
0x7: {  	s29 =	simm.s32 $0x5;
	s0 =	sand.u32 $0x1, s0;
	s8 =	smul.u32 $0xA000, s11  }
0x8: {  	s30 =	simm.s32 $0x0;
	s4 =	sshll.u32 s0, $0x4;
	s7 =	smul.u32 $0x28000, s0  }
0x9: {  	s0 =	ssub.s32 $0x2, s0;
	s5 =	sor.u32 s11, s4;
	s4 =	simm.s32 $0x0  }
0xa: {  	s6 =	sshrl.u32 s10, $0x3;
	s26 =	sshrl.u32 s0, $0x1;
	s17 =	sadd.s32 s10, s2  }
0xb: {  	s31 =	sshrl.u32 s8, $0x2;
	s5 =	smul.u32 $0x4E2, s5;
	[smem:$0x7FF] =	sst s4  }
0xc: {  	s6 =	sadd.s32 s6, s1;
	s25 =	sadd.s32 s10, s7;
	s0 =	ssub.s32 s0, s26  }
0xd: {  	s14 =	sadd.s32 s31, s3;
	s10 =	sadd.s32 s10, s3;
	s17 =	sshrl.u32 s17, $0x3  }
0xe: {  	s26 =	simm.s32 $0xCB20;
	_ =	strace $0x8000004A;
	s12 =	sadd.s32 $0x1000, s14  }
0xf: {  	s13 =	sadd.s32 $0x1800, s14;
	s16 =	smax.u32 s0, $0x1;
	s0 =	simm.s32 $0x1F40  }
0x10: {  	s9 =	sadd.s32 s5, s1;
	s5 =	sshrl.u32 s25, $0x3;
	s25 =	simm.s32 $0x4E20  }
0x11: {  	s1 =	sadd.s32 s5, s1;
	s5 =	sadd.s32 $0x14800, s6;
	s6 =	sshll.u32 s11, $0x6  }
0x12: {  	s8 =	sadd.s32 $0xAA00, s9;
	s9 =	sadd.s32 $0xC00, s9;
	s11 =	sadd.s32 $0x800, s14  }
0x13: {  	v0 =	vimm.f32 $0.0e+00;
	s14 =	sadd.s32 $0x2000, s14;
	s7 =	sor.u32 $0x1C01, s6;
	s15 =	sadd.s32 $0x19800, s1  }
.LBB2_1:
0x14: {  	[spmem:s17], [sflag:s7] =	dma.local [hbm:s5], $0x500  }
0x15: {  	[tilespmem:s4], [sflag:$0x2] =	stream.linear.gather [hbm4b:s8+s4], $0x2710, $0x38;
	[tilespmem:$0x1A020] =	vst v63  }
0x16: {  	s31 =	simm.s32 $0x40;
	s1 =	simm.s32 $0x0  }
0x17: {  	[tilespmem:s18], [sflag:$0x3] =	stream.linear.gather [hbm4b:s9+s4], $0x2710, $0x38;
	[tilespmem:$0x1A020] =	vst v63  }
.LBB2_2:
0x18: {  	p0 =	sne.s32 s31, $0x1FC0;
	[tilespmem:s1+$0x14820] =	vst v0;
	s1 =	smov.u32 s31;
	s31 =	sadd.s32 $0x40, s31  }
.Ltmp0:
0x19: {  	(pc) =	sbr.rel @p0 .LBB2_2-.Ltmp0, $2  }
0x1a: {  	_ =	sdelay $0x2  }
0x1b: {  	s1 =	sshra.s32 s1, $0x2  }
0x1c: {  	[tilespmem:s1+$0x14820] =	vst v0  }
0x1d: {  	[spmem:s10] =	stream.linear.scatter [tilespmem:s19], [sflag:$0x4], $0x800, $0x38;
	[tilespmem:$0x1A020] =	vst v63  }
0x1e: {  	_ = 	snop  }
0x1f: {  	[spmem:s11] =	stream.linear.scatter [tilespmem:s19], [sflag:$0x4], $0x800, $0x38;
	[tilespmem:$0x1A020] =	vst v63  }
0x20: {  	_ = 	snop  }
0x21: {  	[spmem:s12] =	stream.linear.scatter [tilespmem:s19], [sflag:$0x4], $0x800, $0x38;
	[tilespmem:$0x1A020] =	vst v63  }
0x22: {  	_ = 	snop  }
0x23: {  	[spmem:s13] =	stream.linear.scatter [tilespmem:s19], [sflag:$0x4], $0x800, $0x38;
	[tilespmem:$0x1A020] =	vst v63  }
0x24: {  	_ = 	snop  }
0x25: {  	[spmem:s14] =	stream.linear.scatter [tilespmem:s19], [sflag:$0x4], $0x800, $0x38;
	[tilespmem:$0x1A020] =	vst v63  }
0x26: {  	_ =	swait.ge [sflag:s20], $0x500  }
0x27: {  	[sflag:s20] =	ssyncset.done $0x0  }
0x28: {  	[sflag:s20] =	ssyncadd.s32 $0xFFFFFB00  }
0x29: {  	_ =	swait.ge [sflag:s21], $0x2710  }
0x2a: {  	[sflag:s21] =	ssyncset.done $0x0  }
0x2b: {  	[sflag:s21] =	ssyncadd.s32 $0xFFFFD8F0  }
0x2c: {  	_ =	swait.ge [sflag:s22], $0x2710  }
0x2d: {  	[sflag:s22] =	ssyncset.done $0x0  }
0x2e: {  	[sflag:s22] =	ssyncadd.s32 $0xFFFFD8F0  }
0x2f: {  	_ =	swait.ge [sflag:s23], $0x800  }
0x30: {  	[sflag:s23] =	ssyncset.done $0x0  }
0x31: {  	[sflag:s23] =	ssyncadd.s32 $0xFFFFF800  }
0x32: {  	_ =	swait.ge [sflag:s23], $0x800  }
0x33: {  	[sflag:s23] =	ssyncset.done $0x0  }
0x34: {  	[sflag:s23] =	ssyncadd.s32 $0xFFFFF800  }
0x35: {  	_ =	swait.ge [sflag:s23], $0x800  }
0x36: {  	[sflag:s23] =	ssyncset.done $0x0  }
0x37: {  	[sflag:s23] =	ssyncadd.s32 $0xFFFFF800  }
0x38: {  	_ =	swait.ge [sflag:s23], $0x800  }
0x39: {  	[sflag:s23] =	ssyncset.done $0x0  }
0x3a: {  	[sflag:s23] =	ssyncadd.s32 $0xFFFFF800  }
0x3b: {  	_ =	swait.ge [sflag:s23], $0x800  }
0x3c: {  	[sflag:s23] =	ssyncset.done $0x0  }
0x3d: {  	[sflag:s23] =	ssyncadd.s32 $0xFFFFF800  }
0x3e: {  	[bflag:$0x0] =	sbarrier.arrive $0xFFFF  }
0x3f: {  	[tilespmem:s25], [sflag:$0x1] =	stream.indirect.gather [spmem:s2], $0x10, s4, s24, $0xb8;
	[tilespmem:$0x1A020] =	vst v63  }
0x40: {  	_ = 	snop  }
0x41: {  	[tilespmem:s26], [sflag:$0x2] =	stream.indirect.gather [spmem:s2], $0x10, s24, s24, $0xb8;
	[tilespmem:$0x1A020] =	vst v63  }
0x42: {  	_ =	swait.ge [sflag:s20], $0x7D00  }
0x43: {  	[sflag:s20] =	ssyncset.done $0x0  }
0x44: {  	[sflag:s20] =	ssyncadd.s32 $0xFFFF8300  }
0x45: {  	[spmem:s3] =	stream.indirect.scatter.add.f32 [tilespmem:s25], [sflag:$0x3], $0x10, s18, s24, $0xb8;
	[tilespmem:$0x1A020] =	vst v63  }
0x46: {  	_ =	swait.ge [sflag:s21], $0x7D00  }
0x47: {  	[sflag:s21] =	ssyncset.done $0x0  }
0x48: {  	s31 =	simm.s32 $0x2EE0;
	[sflag:s21] =	ssyncadd.s32 $0xFFFF8300  }
0x49: {  	[spmem:s3] =	stream.indirect.scatter.add.f32 [tilespmem:s26], [sflag:$0x4], $0x10, s31, s24, $0xb8;
	[tilespmem:$0x1A020] =	vst v63  }
0x4a: {  	_ =	swait.ge [sflag:s22], $0x7D00  }
0x4b: {  	[sflag:s22] =	ssyncset.done $0x0  }
0x4c: {  	s31 =	simm.s32 $0xFA0;
	[sflag:s22] =	ssyncadd.s32 $0xFFFF8300  }
0x4d: {  	[tilespmem:s25], [sflag:$0x1] =	stream.indirect.gather [spmem:s2], $0x10, s31, s24, $0xb8;
	[tilespmem:$0x1A020] =	vst v63  }
0x4e: {  	_ =	swait.ge [sflag:s23], $0x7D00  }
0x4f: {  	[sflag:s23] =	ssyncset.done $0x0  }
0x50: {  	s31 =	simm.s32 $0x1770;
	[sflag:s23] =	ssyncadd.s32 $0xFFFF8300  }
0x51: {  	[tilespmem:s26], [sflag:$0x2] =	stream.indirect.gather [spmem:s2], $0x10, s31, s24, $0xb8;
	[tilespmem:$0x1A020] =	vst v63  }
0x52: {  	_ =	swait.ge [sflag:s20], $0x7D00  }
0x53: {  	[sflag:s20] =	ssyncset.done $0x0  }
0x54: {  	s31 =	simm.s32 $0x36B0;
	[sflag:s20] =	ssyncadd.s32 $0xFFFF8300  }
0x55: {  	[spmem:s3] =	stream.indirect.scatter.add.f32 [tilespmem:s25], [sflag:$0x3], $0x10, s31, s24, $0xb8;
	[tilespmem:$0x1A020] =	vst v63  }
0x56: {  	_ =	swait.ge [sflag:s21], $0x7D00  }
0x57: {  	[sflag:s21] =	ssyncset.done $0x0  }
0x58: {  	s31 =	simm.s32 $0x3E80;
	[sflag:s21] =	ssyncadd.s32 $0xFFFF8300  }
0x59: {  	[spmem:s3] =	stream.indirect.scatter.add.f32 [tilespmem:s26], [sflag:$0x4], $0x10, s31, s24, $0xb8;
	[tilespmem:$0x1A020] =	vst v63  }
0x5a: {  	_ =	swait.ge [sflag:s22], $0x7D00  }
0x5b: {  	[sflag:s22] =	ssyncset.done $0x0  }
0x5c: {  	[sflag:s22] =	ssyncadd.s32 $0xFFFF8300  }
0x5d: {  	[tilespmem:s25], [sflag:$0x1] =	stream.indirect.gather [spmem:s2], $0x10, s0, s24, $0xb8;
	[tilespmem:$0x1A020] =	vst v63  }
0x5e: {  	_ =	swait.ge [sflag:s23], $0x7D00  }
0x5f: {  	[sflag:s23] =	ssyncset.done $0x0  }
0x60: {  	[sflag:s23] =	ssyncadd.s32 $0xFFFF8300  }
0x61: {  	_ =	swait.ge [sflag:s20], $0x7D00  }
0x62: {  	[sflag:s20] =	ssyncset.done $0x0  }
0x63: {  	[sflag:s20] =	ssyncadd.s32 $0xFFFF8300  }
0x64: {  	[spmem:s3] =	stream.indirect.scatter.add.f32 [tilespmem:s25], [sflag:$0x5], $0x10, s28, s24, $0xb8;
	[tilespmem:$0x1A020] =	vst v63  }
0x65: {  	_ =	swait.ge [sflag:s29], $0x7D00  }
0x66: {  	s30 =	sadd.s32 $0x1, s30;
	[sflag:s29] =	ssyncset.done $0x0  }
0x67: {  	s1 =	sor.u32 $0x1C05, s6;
	p0 =	sne.s32 s30, s16;
	[sflag:s29] =	ssyncadd.s32 $0xFFFF8300  }
.Ltmp1:
0x68: {  	s31 =	sshrl.u32 s10, $0x3;
	[bflag:$0x0] =	sbarrier.arrive $0xFFFF;
	(pc) =	sbr.rel @p0 .LBB2_1-.Ltmp1, $4  }
0x69: {  	[hbm:s15], [sflag:s1] =	dma.local [spmem:s31], $0x500  }
0x6a: {  	_ =	swait.ge [sflag:s29], $0x500  }
0x6b: {  	[sflag:s29] =	ssyncset.done $0x0  }
0x6c: {  	[sflag:s29] =	ssyncadd.s32 $0xFFFFFB00  }
0x6d: {  	_ =	sfence.sel $0x180000  }
0x6e: {  	[bflag:$0x0] =	sbarrier.arrive $0xFFFF  }
0x6f: {  	_ =	strace $0x9000004A  }
0x70: {  	s0 =	stileid.u32;
	[bflag:$0x2] =	sbarrier.arrive $0xFFFF  }
0x71: {  	p0 =	sne.s32 s0, $0x0;
	s0 =	rddreg [dreg:$0x3]  }
0x72: {  	s0 =	sadd.s32 @!p0 $0x100000, s0  }
0x73: {  	[sflag:s0] =	ssyncadd.tile.s32 @!p0 $0x1;
	_ =	shalt  }
.Lfunc_end2:
_tile_overlayer_lowered:
.L_overlay_start_2:
0x74: {  	(tag) =	ssettag $0x2  }
0x75: {  	s0 =	rddreg [dreg:$0x0];
	s2 =	stileid.u32  }
0x76: {  	s1 =	rddreg [dreg:$0x1];
	p0 =	sne.s32 s2, $0x0  }
0x77: {  	s3 =	rddreg [dreg:$0x2];
	[bflag:$0x3] =	sbarrier.arrive $0xFFFF;
	s2 =	simm.s32 @!p0 $0x1C05  }
0x78: {  	[timem:s3], [sflag:s2] =	dma.local @!p0 [hbm:s0], s1  }
0x79: {  	s0 =	simm.s32 @!p0 $0x5  }
0x7a: {  	_ =	swait.ge @!p0 [sflag:s0], s1  }
0x7b: {  	s1 =	ssub.s32 @!p0 $0x0, s1;
	[sflag:s0] =	ssyncset.done @!p0 $0x0  }
0x7c: {  	[sflag:s0] =	ssyncadd.s32 @!p0 s1  }
0x7d: {  	[bflag:$0x3] =	sbarrier.arrive $0xFFFF  }
0x7e: {  	_ =	shalt  }

// kernel: kernel.7.cloned.1.call-start
scs
__scs_entry_jumppad:
0x0: {  	(pc) =	sbr.rel $0x88, $3  }
0x1: {  	(tag) =	ssettag $0x0;
	lr =	simm.s32 $0x1  }
0x2: {  	[smem:$0x3F99] =	sst lr;
	_ =	strace $0xD0000000  }
0x3: {  	_ = 	snop  }
0x4: {  	_ = 	snop  }
0x5: {  	_ = 	snop  }
0x6: {  	_ = 	snop  }
0x7: {  	_ = 	snop  }
__scs_overlays_trampoline_lowered:
0x8: {  	[smem:$0x3FA8] =	sst s0  }
0x9: {  	[smem:$0x3FA9] =	sst s1  }
0xa: {  	[smem:$0x3FAA] =	sst s2  }
0xb: {  	[smem:$0x3FAB] =	sst s3  }
0xc: {  	[smem:$0x3FAC] =	sst s4  }
0xd: {  	[smem:$0x3FAD] =	sst s5  }
0xe: {  	[smem:$0x3FAE] =	sst s6  }
0xf: {  	[smem:$0x3FAF] =	sst s7  }
0x10: {  	[smem:$0x3FB0] =	sst s8  }
0x11: {  	[smem:$0x3FB1] =	sst s9;
	s0 =	simm.s32 @!p0 $0x0  }
0x12: {  	s1 =	sld [smem:$0x3F97];
	s0 =	simm.s32 @p0 $0x1  }
0x13: {  	[smem:$0x3FB2] =	sst s0;
	s0 =	simm.s32 @!p1 $0x0  }
0x14: {  	s2 =	sld [smem:$0x3F96];
	s0 =	simm.s32 @p1 $0x1  }
0x15: {  	[smem:$0x3FB3] =	sst s0;
	s0 =	simm.s32 @!p2 $0x0  }
0x16: {  	s3 =	sld [smem:$0x3FDB];
	s0 =	simm.s32 @p2 $0x1  }
0x17: {  	s4 =	simm.s32 $0x1BF5;
	[smem:$0x3FB5] =	sst s0  }
0x18: {  	s0 =	sld [smem:$0x3F98];
	_ =	swait.ge [sflag:s4], $0x0  }
0x19: {  	s7 =	sld [smem:$0x3F99]  }
0x1a: {  	s8 =	sadd.s32 $0xFFFFE003, lr  }
0x1b: {  	s9 =	sadd.s32 $0xFFFFFEF7, lr;
	s5 =	simm.s32 $0xFFFFFFFF;
	p2 =	slt.u32 s8, $0xFFFFF086  }
0x1c: {  	p1 =	slt.u32 s9, $0xF7A;
	s5 =	simm.s32 @!p2 $0x0  }
0x1d: {  	s5 =	simm.s32 @p1 $0x1;
	p0 =	seq.s32 s7, s2  }
0x1e: {  	s7 =	smul.u32 @!p0 $0xF7A, s2;
	p2 =	seq.s32 @!p0 s5, $0x0  }
0x1f: {  	s9 =	smul.u32 $0xF7A, s1;
	s8 =	simm.s32 @!p0 $0x1BF5;
	p2 =	por !p2, p0  }
0x20: {  	[sflag:s8] =	ssyncset.s32 @!p0 $0xFFFFF086;
	s6 =	sadd.s32 @!p0 s3, s7;
	s7 =	simm.s32 @!p0 $0x108  }
0x21: {  	s3 =	sadd.s32 s3, s9;
	s6 =	sadd.s32 @!p0 $0x88, s6;
	s7 =	simm.s32 @p2 $0x1082  }
0x22: {  	[simem:s7], [sflag:s8] =	dma.local @!p0 [hbm:s6], $0xF7A  }
0x23: {  	s9 =	sor.u32 $0xD0000000, s2;
	s6 =	simm.s32 $0x108;
	_ =	swait.ge @!p0 [sflag:s8], $0x0  }
0x24: {  	s3 =	sadd.s32 $0x88, s3;
	s6 =	simm.s32 @!p1 $0x1082;
	[sflag:s4] =	ssyncset.s32 $0xFFFFF086  }
0x25: {  	[simem:s6], [sflag:s4] =	dma.local [hbm:s3], $0xF7A  }
0x26: {  	[smem:$0x3F99] =	sst s1;
	(tag) =	ssettag s2;
	_ =	strace s9  }
0x27: {  	s1 =	sld [smem:$0x3FA9]  }
0x28: {  	s2 =	sld [smem:$0x3FAA]  }
0x29: {  	s4 =	sld [smem:$0x3FAC]  }
0x2a: {  	p0 =	seq.s32 s5, $0x0;
	s5 =	sld [smem:$0x3FAD]  }
0x2b: {  	s6 =	sld [smem:$0x3FAE]  }
0x2c: {  	s7 =	sld [smem:$0x3FAF]  }
0x2d: {  	s3 =	simm.s32 $0x108;
	s8 =	sld [smem:$0x3FB0]  }
0x2e: {  	s3 =	simm.s32 @!p0 $0x1082;
	s9 =	sld [smem:$0x3FB1]  }
0x2f: {  	lr =	sadd.s32 s0, s3;
	s0 =	sld [smem:$0x3FA8]  }
0x30: {  	s3 =	sld [smem:$0x3FAB]  }
0x31: {  	[smem:$0x3FB4] =	sst s10  }
0x32: {  	s10 =	sld [smem:$0x3FB2];
	_ =	sdelay $0x3  }
0x33: {  	p0 =	seq.s32 s10, $0x1;
	s10 =	sld [smem:$0x3FB4];
	_ =	sdelay $0x3  }
0x34: {  	[smem:$0x3FB4] =	sst s10  }
0x35: {  	s10 =	sld [smem:$0x3FB3];
	_ =	sdelay $0x3  }
0x36: {  	p1 =	seq.s32 s10, $0x1;
	s10 =	sld [smem:$0x3FB4];
	_ =	sdelay $0x3  }
0x37: {  	[smem:$0x3FB4] =	sst s10  }
0x38: {  	s10 =	sld [smem:$0x3FB5]  }
0x39: {  	_ = 	snop;
	(pc) =	sbr.ind lr, $3  }
0x3a: {  	_ = 	snop  }
0x3b: {  	_ = 	snop  }
0x3c: {  	p2 =	seq.s32 s10, $0x1;
	s10 =	sld [smem:$0x3FB4]  }
0x3d: {  	_ =	shalt  }
0x3e: {  	_ =	shalt  }
0x3f: {  	_ =	shalt  }
0x40: {  	_ =	shalt  }
0x41: {  	_ =	shalt  }
0x42: {  	_ =	shalt  }
0x43: {  	_ =	shalt  }
0x44: {  	_ =	shalt  }
0x45: {  	_ =	shalt  }
0x46: {  	_ =	shalt  }
0x47: {  	_ =	shalt  }
0x48: {  	_ =	shalt  }
0x49: {  	_ =	shalt  }
0x4a: {  	_ =	shalt  }
0x4b: {  	_ =	shalt  }
0x4c: {  	_ =	shalt  }
0x4d: {  	_ =	shalt  }
0x4e: {  	_ =	shalt  }
0x4f: {  	_ =	shalt  }
0x50: {  	_ =	shalt  }
0x51: {  	_ =	shalt  }
0x52: {  	_ =	shalt  }
0x53: {  	_ =	shalt  }
0x54: {  	_ =	shalt  }
0x55: {  	_ =	shalt  }
0x56: {  	_ =	shalt  }
0x57: {  	_ =	shalt  }
0x58: {  	_ =	shalt  }
0x59: {  	_ =	shalt  }
0x5a: {  	_ =	shalt  }
0x5b: {  	_ =	shalt  }
0x5c: {  	_ =	shalt  }
0x5d: {  	_ =	shalt  }
0x5e: {  	_ =	shalt  }
0x5f: {  	_ =	shalt  }
0x60: {  	_ =	shalt  }
0x61: {  	_ =	shalt  }
0x62: {  	_ =	shalt  }
0x63: {  	_ =	shalt  }
0x64: {  	_ =	shalt  }
0x65: {  	_ =	shalt  }
0x66: {  	_ =	shalt  }
0x67: {  	_ =	shalt  }
0x68: {  	_ =	shalt  }
0x69: {  	_ =	shalt  }
0x6a: {  	_ =	shalt  }
0x6b: {  	_ =	shalt  }
0x6c: {  	_ =	shalt  }
0x6d: {  	_ =	shalt  }
0x6e: {  	_ =	shalt  }
0x6f: {  	_ =	shalt  }
0x70: {  	_ =	shalt  }
0x71: {  	_ =	shalt  }
0x72: {  	_ =	shalt  }
0x73: {  	_ =	shalt  }
0x74: {  	_ =	shalt  }
0x75: {  	_ =	shalt  }
0x76: {  	_ =	shalt  }
0x77: {  	_ =	shalt  }
0x78: {  	_ =	shalt  }
0x79: {  	_ =	shalt  }
0x7a: {  	_ =	shalt  }
0x7b: {  	_ =	shalt  }
0x7c: {  	_ =	shalt  }
0x7d: {  	_ =	shalt  }
0x7e: {  	_ =	shalt  }
0x7f: {  	_ =	shalt  }
0x80: {  	_ =	shalt  }
0x81: {  	_ =	shalt  }
0x82: {  	_ =	shalt  }
0x83: {  	_ =	shalt  }
0x84: {  	_ =	shalt  }
0x85: {  	_ =	shalt  }
0x86: {  	_ =	shalt  }
0x87: {  	_ =	shalt  }
.Lfunc_end0:
.L_simem_size_0:
called_computation_lowered:
.L_overlay_start_0:
0x88: {  	s2 =	sld [smem:$0x3FD9]  }
0x89: {  	s3 =	sld [smem:$0x3FFE];
	_ =	sdelay $0x1  }
0x8a: {  	s1 =	srdreg.scid  }
0x8b: {  	s0 =	sand.u32 $0x1, s1  }
0x8c: {  	s16 =	sshll.u32 s0, $0xA;
	s2 =	sadd.s32 s3, s2  }
0x8d: {  	s2 =	sadd.s32 s2, s16  }
0x8e: {  	[smem:$0x3FC0] =	sst s2  }
0x8f: {  	_ = 	snop  }
0x90: {  	(tm) =	ssettm $0x1  }
0x91: {  	s17 =	sld [smem:$0x3FFB];
	_ =	sdelay $0x3  }
0x92: {  	_ =	strace s17  }
0x93: {  	s2 =	sld [smem:$0x3FFC];
	_ =	sdelay $0x3  }
0x94: {  	_ =	strace s2  }
0x95: {  	s2 =	sld [smem:$0x3FFD];
	_ =	sdelay $0x3  }
0x96: {  	_ =	strace s2  }
0x97: {  	_ =	strace $0x8FFFFFFF  }
0x98: {  	s18 =	sld [smem:$0x3FDB];
	_ =	sdelay $0x1  }
0x99: {  	s19 =	simm.s32 $_scs_section_size  }
0x9a: {  	s4 =	simm.s32 $_size__tile_overlayer_lowered;
	s5 =	simm.s32 $_tile_overlayer_lowered  }
0x9b: {  	s22 =	simm.s32 $0x1BFF;
	s21 =	sshll.u32 s5, $0x1;
	s2 =	sadd.s32 s19, s18  }
0x9c: {  	s6 =	simm.s32 $0x0;
	s20 =	sshll.u32 s4, $0x1;
	s4 =	sadd.s32 s21, s2  }
0x9d: {  	[timem:s6], [sflag:s22] =	dma.local [hbm:s4], s20  }
0x9e: {  	_ =	swait.ge [sflag:s22], s20  }
0x9f: {  	s3 =	ssub.s32 $0x0, s20;
	[sflag:s22] =	ssyncset.done $0x0  }
0xa0: {  	[sflag:s22] =	ssyncadd.s32 s3;
	_ =	sdelay $0x1  }
0xa1: {  	s23 =	simm.s32 $0x1B8B  }
0xa2: {  	_ =	swait.ge [sflag:s23], $0x1  }
0xa3: {  	[sflag:s23] =	ssyncset.done $0x0  }
0xa4: {  	s25 =	simm.s32 $0x1B8E;
	s24 =	sld [smem:$0x3FFE];
	[sflag:s23] =	ssyncadd.s32 $0xFFFFFFFF  }
0xa5: {  	s26 =	simm.s32 $execute0_lowered;
	[smem:$0x3FD2] =	sst s25  }
0xa6: {  	s4 =	sshll.u32 s26, $0x1;
	_ =	strace $0x80000046;
	[dreg:$0x1] =	wrdreg $0xFFFFFFFF  }
0xa7: {  	s28 =	simm.s32 $_size_execute0_lowered;
	s2 =	sadd.s32 s2, s4;
	[dreg:$0x0] =	wrdreg $0x0  }
0xa8: {  	s4 =	sshll.u32 s28, $0x1;
	[dreg:$0x2] =	wrdreg s2  }
0xa9: {  	[dreg:$0x3] =	wrdreg s4  }
0xaa: {  	[dreg:$0x4] =	wrdreg $0xC0  }
0xab: {  	_ =	task [dreg:s6], $0x5FFFF  }
0xac: {  	[dreg:$0x1] =	wrdreg $0xFFFFFFFF  }
0xad: {  	[dreg:$0x0] =	wrdreg $0x60  }
0xae: {  	[dreg:$0x2] =	wrdreg s24  }
0xaf: {  	[dreg:$0x3] =	wrdreg $0x150200  }
0xb0: {  	[dreg:$0x4] =	wrdreg $0x178200  }
0xb1: {  	[dreg:$0x5] =	wrdreg $0x9  }
0xb2: {  	_ =	task.clear_ibuf [dreg:s6], $0x6FFFF;
	_ =	strace $0x90000046  }
0xb3: {  	s29 =	simm.s32 $0x9;
	_ =	strace $0x80000048  }
0xb4: {  	_ =	swait.ge [sflag:s29], $0x1  }
0xb5: {  	[sflag:s29] =	ssyncadd.s32 $0xFFFFFFFF  }
0xb6: {  	_ =	strace $0x90000048  }
0xb7: {  	_ =	sfence  }
0xb8: {  	s30 =	sld [smem:$0x0];
	_ =	sdelay $0x2  }
0xb9: {  	s31 =	sshll.u32 s1, $0xD;
	s1 =	sshrl.u32 s1, $0x2  }
0xba: {  	s3 =	sand.u32 $0x4000, s31;
	s1 =	sadd.s32 s1, s30  }
0xbb: {  	s0 =	sor.u32 s3, s0;
	s1 =	sshll.u32 s1, $0x11  }
0xbc: {  	s0 =	sor.u32 s1, s0  }
0xbd: {  	s0 =	sadd.s32 $0x8F2B, s0  }
0xbe: {  	[sflag:s0] =	ssyncadd.remote.s32 $0x1  }
0xbf: {  	_ =	sfence.sel $0xFFFF  }
0xc0: {  	[dreg:$0x0] =	wrdreg $0xFFFFFFFF;
	(pc) =	sbr.abs _section_cstart, $3  }
0xc1: {  	[dreg:$0x1] =	wrdreg $0xFFFFFFFF  }
0xc2: {  	_ =	task.clear_ibuf [dreg:s6], $0x2FFFF;
	_ =	strace $0x9FFFFFFF  }
0xc3: {  	(tm) =	ssettm $0x7FFFFFFF  }
tec
execute0_lowered:
.L_overlay_start_1:
0x0: {  	(tag) =	ssettag $0x1  }
0x1: {  	s1 =	rddreg [dreg:$0x0]  }
0x2: {  	s0 =	srdreg.scid;
	s2 =	rddreg [dreg:$0x1]  }
0x3: {  	s11 =	stileid.u32;
	s3 =	rddreg [dreg:$0x2]  }
0x4: {  	s18 =	simm.s32 $0x2710;
	s19 =	simm.s32 $0x14820;
	s20 =	simm.s32 $0x1  }
0x5: {  	s21 =	simm.s32 $0x2;
	s22 =	simm.s32 $0x3;
	s23 =	simm.s32 $0x4  }
0x6: {  	s24 =	simm.s32 $0x7D0;
	s28 =	simm.s32 $0x4650;
	s10 =	smul.u32 $0x2800, s11  }
0x7: {  	s29 =	simm.s32 $0x5;
	s0 =	sand.u32 $0x1, s0;
	s8 =	smul.u32 $0xA000, s11  }
0x8: {  	s30 =	simm.s32 $0x0;
	s4 =	sshll.u32 s0, $0x4;
	s7 =	smul.u32 $0x28000, s0  }
0x9: {  	s0 =	ssub.s32 $0x2, s0;
	s5 =	sor.u32 s11, s4;
	s4 =	simm.s32 $0x0  }
0xa: {  	s6 =	sshrl.u32 s10, $0x3;
	s26 =	sshrl.u32 s0, $0x1;
	s17 =	sadd.s32 s10, s2  }
0xb: {  	s31 =	sshrl.u32 s8, $0x2;
	s5 =	smul.u32 $0x4E2, s5;
	[smem:$0x7FF] =	sst s4  }
0xc: {  	s6 =	sadd.s32 s6, s1;
	s25 =	sadd.s32 s10, s7;
	s0 =	ssub.s32 s0, s26  }
0xd: {  	s14 =	sadd.s32 s31, s3;
	s10 =	sadd.s32 s10, s3;
	s17 =	sshrl.u32 s17, $0x3  }
0xe: {  	s26 =	simm.s32 $0xCB20;
	_ =	strace $0x80000047;
	s12 =	sadd.s32 $0x1000, s14  }
0xf: {  	s13 =	sadd.s32 $0x1800, s14;
	s16 =	smax.u32 s0, $0x1;
	s0 =	simm.s32 $0x1F40  }
0x10: {  	s9 =	sadd.s32 s5, s1;
	s5 =	sshrl.u32 s25, $0x3;
	s25 =	simm.s32 $0x4E20  }
0x11: {  	s1 =	sadd.s32 s5, s1;
	s5 =	sadd.s32 $0x14800, s6;
	s6 =	sshll.u32 s11, $0x6  }
0x12: {  	s8 =	sadd.s32 $0xAA00, s9;
	s9 =	sadd.s32 $0xC00, s9;
	s11 =	sadd.s32 $0x800, s14  }
0x13: {  	v0 =	vimm.f32 $0.0e+00;
	s14 =	sadd.s32 $0x2000, s14;
	s7 =	sor.u32 $0x1C01, s6;
	s15 =	sadd.s32 $0x19800, s1  }
.LBB2_1:
0x14: {  	[spmem:s17], [sflag:s7] =	dma.local [hbm:s5], $0x500  }
0x15: {  	[tilespmem:s4], [sflag:$0x2] =	stream.linear.gather [hbm4b:s8+s4], $0x2710, $0x38;
	[tilespmem:$0x1A020] =	vst v63  }
0x16: {  	s31 =	simm.s32 $0x40;
	s1 =	simm.s32 $0x0  }
0x17: {  	[tilespmem:s18], [sflag:$0x3] =	stream.linear.gather [hbm4b:s9+s4], $0x2710, $0x38;
	[tilespmem:$0x1A020] =	vst v63  }
.LBB2_2:
0x18: {  	p0 =	sne.s32 s31, $0x1FC0;
	[tilespmem:s1+$0x14820] =	vst v0;
	s1 =	smov.u32 s31;
	s31 =	sadd.s32 $0x40, s31  }
.Ltmp0:
0x19: {  	(pc) =	sbr.rel @p0 .LBB2_2-.Ltmp0, $2  }
0x1a: {  	_ =	sdelay $0x2  }
0x1b: {  	s1 =	sshra.s32 s1, $0x2  }
0x1c: {  	[tilespmem:s1+$0x14820] =	vst v0  }
0x1d: {  	[spmem:s10] =	stream.linear.scatter [tilespmem:s19], [sflag:$0x4], $0x800, $0x38;
	[tilespmem:$0x1A020] =	vst v63  }
0x1e: {  	_ = 	snop  }
0x1f: {  	[spmem:s11] =	stream.linear.scatter [tilespmem:s19], [sflag:$0x4], $0x800, $0x38;
	[tilespmem:$0x1A020] =	vst v63  }
0x20: {  	_ = 	snop  }
0x21: {  	[spmem:s12] =	stream.linear.scatter [tilespmem:s19], [sflag:$0x4], $0x800, $0x38;
	[tilespmem:$0x1A020] =	vst v63  }
0x22: {  	_ = 	snop  }
0x23: {  	[spmem:s13] =	stream.linear.scatter [tilespmem:s19], [sflag:$0x4], $0x800, $0x38;
	[tilespmem:$0x1A020] =	vst v63  }
0x24: {  	_ = 	snop  }
0x25: {  	[spmem:s14] =	stream.linear.scatter [tilespmem:s19], [sflag:$0x4], $0x800, $0x38;
	[tilespmem:$0x1A020] =	vst v63  }
0x26: {  	_ =	swait.ge [sflag:s20], $0x500  }
0x27: {  	[sflag:s20] =	ssyncset.done $0x0  }
0x28: {  	[sflag:s20] =	ssyncadd.s32 $0xFFFFFB00  }
0x29: {  	_ =	swait.ge [sflag:s21], $0x2710  }
0x2a: {  	[sflag:s21] =	ssyncset.done $0x0  }
0x2b: {  	[sflag:s21] =	ssyncadd.s32 $0xFFFFD8F0  }
0x2c: {  	_ =	swait.ge [sflag:s22], $0x2710  }
0x2d: {  	[sflag:s22] =	ssyncset.done $0x0  }
0x2e: {  	[sflag:s22] =	ssyncadd.s32 $0xFFFFD8F0  }
0x2f: {  	_ =	swait.ge [sflag:s23], $0x800  }
0x30: {  	[sflag:s23] =	ssyncset.done $0x0  }
0x31: {  	[sflag:s23] =	ssyncadd.s32 $0xFFFFF800  }
0x32: {  	_ =	swait.ge [sflag:s23], $0x800  }
0x33: {  	[sflag:s23] =	ssyncset.done $0x0  }
0x34: {  	[sflag:s23] =	ssyncadd.s32 $0xFFFFF800  }
0x35: {  	_ =	swait.ge [sflag:s23], $0x800  }
0x36: {  	[sflag:s23] =	ssyncset.done $0x0  }
0x37: {  	[sflag:s23] =	ssyncadd.s32 $0xFFFFF800  }
0x38: {  	_ =	swait.ge [sflag:s23], $0x800  }
0x39: {  	[sflag:s23] =	ssyncset.done $0x0  }
0x3a: {  	[sflag:s23] =	ssyncadd.s32 $0xFFFFF800  }
0x3b: {  	_ =	swait.ge [sflag:s23], $0x800  }
0x3c: {  	[sflag:s23] =	ssyncset.done $0x0  }
0x3d: {  	[sflag:s23] =	ssyncadd.s32 $0xFFFFF800  }
0x3e: {  	[bflag:$0x0] =	sbarrier.arrive $0xFFFF  }
0x3f: {  	[tilespmem:s25], [sflag:$0x1] =	stream.indirect.gather [spmem:s2], $0x10, s4, s24, $0xb8;
	[tilespmem:$0x1A020] =	vst v63  }
0x40: {  	_ = 	snop  }
0x41: {  	[tilespmem:s26], [sflag:$0x2] =	stream.indirect.gather [spmem:s2], $0x10, s24, s24, $0xb8;
	[tilespmem:$0x1A020] =	vst v63  }
0x42: {  	_ =	swait.ge [sflag:s20], $0x7D00  }
0x43: {  	[sflag:s20] =	ssyncset.done $0x0  }
0x44: {  	[sflag:s20] =	ssyncadd.s32 $0xFFFF8300  }
0x45: {  	[spmem:s3] =	stream.indirect.scatter.add.f32 [tilespmem:s25], [sflag:$0x3], $0x10, s18, s24, $0xb8;
	[tilespmem:$0x1A020] =	vst v63  }
0x46: {  	_ =	swait.ge [sflag:s21], $0x7D00  }
0x47: {  	[sflag:s21] =	ssyncset.done $0x0  }
0x48: {  	s31 =	simm.s32 $0x2EE0;
	[sflag:s21] =	ssyncadd.s32 $0xFFFF8300  }
0x49: {  	[spmem:s3] =	stream.indirect.scatter.add.f32 [tilespmem:s26], [sflag:$0x4], $0x10, s31, s24, $0xb8;
	[tilespmem:$0x1A020] =	vst v63  }
0x4a: {  	_ =	swait.ge [sflag:s22], $0x7D00  }
0x4b: {  	[sflag:s22] =	ssyncset.done $0x0  }
0x4c: {  	s31 =	simm.s32 $0xFA0;
	[sflag:s22] =	ssyncadd.s32 $0xFFFF8300  }
0x4d: {  	[tilespmem:s25], [sflag:$0x1] =	stream.indirect.gather [spmem:s2], $0x10, s31, s24, $0xb8;
	[tilespmem:$0x1A020] =	vst v63  }
0x4e: {  	_ =	swait.ge [sflag:s23], $0x7D00  }
0x4f: {  	[sflag:s23] =	ssyncset.done $0x0  }
0x50: {  	s31 =	simm.s32 $0x1770;
	[sflag:s23] =	ssyncadd.s32 $0xFFFF8300  }
0x51: {  	[tilespmem:s26], [sflag:$0x2] =	stream.indirect.gather [spmem:s2], $0x10, s31, s24, $0xb8;
	[tilespmem:$0x1A020] =	vst v63  }
0x52: {  	_ =	swait.ge [sflag:s20], $0x7D00  }
0x53: {  	[sflag:s20] =	ssyncset.done $0x0  }
0x54: {  	s31 =	simm.s32 $0x36B0;
	[sflag:s20] =	ssyncadd.s32 $0xFFFF8300  }
0x55: {  	[spmem:s3] =	stream.indirect.scatter.add.f32 [tilespmem:s25], [sflag:$0x3], $0x10, s31, s24, $0xb8;
	[tilespmem:$0x1A020] =	vst v63  }
0x56: {  	_ =	swait.ge [sflag:s21], $0x7D00  }
0x57: {  	[sflag:s21] =	ssyncset.done $0x0  }
0x58: {  	s31 =	simm.s32 $0x3E80;
	[sflag:s21] =	ssyncadd.s32 $0xFFFF8300  }
0x59: {  	[spmem:s3] =	stream.indirect.scatter.add.f32 [tilespmem:s26], [sflag:$0x4], $0x10, s31, s24, $0xb8;
	[tilespmem:$0x1A020] =	vst v63  }
0x5a: {  	_ =	swait.ge [sflag:s22], $0x7D00  }
0x5b: {  	[sflag:s22] =	ssyncset.done $0x0  }
0x5c: {  	[sflag:s22] =	ssyncadd.s32 $0xFFFF8300  }
0x5d: {  	[tilespmem:s25], [sflag:$0x1] =	stream.indirect.gather [spmem:s2], $0x10, s0, s24, $0xb8;
	[tilespmem:$0x1A020] =	vst v63  }
0x5e: {  	_ =	swait.ge [sflag:s23], $0x7D00  }
0x5f: {  	[sflag:s23] =	ssyncset.done $0x0  }
0x60: {  	[sflag:s23] =	ssyncadd.s32 $0xFFFF8300  }
0x61: {  	_ =	swait.ge [sflag:s20], $0x7D00  }
0x62: {  	[sflag:s20] =	ssyncset.done $0x0  }
0x63: {  	[sflag:s20] =	ssyncadd.s32 $0xFFFF8300  }
0x64: {  	[spmem:s3] =	stream.indirect.scatter.add.f32 [tilespmem:s25], [sflag:$0x5], $0x10, s28, s24, $0xb8;
	[tilespmem:$0x1A020] =	vst v63  }
0x65: {  	_ =	swait.ge [sflag:s29], $0x7D00  }
0x66: {  	s30 =	sadd.s32 $0x1, s30;
	[sflag:s29] =	ssyncset.done $0x0  }
0x67: {  	s1 =	sor.u32 $0x1C05, s6;
	p0 =	sne.s32 s30, s16;
	[sflag:s29] =	ssyncadd.s32 $0xFFFF8300  }
.Ltmp1:
0x68: {  	s31 =	sshrl.u32 s10, $0x3;
	[bflag:$0x0] =	sbarrier.arrive $0xFFFF;
	(pc) =	sbr.rel @p0 .LBB2_1-.Ltmp1, $4  }
0x69: {  	[hbm:s15], [sflag:s1] =	dma.local [spmem:s31], $0x500  }
0x6a: {  	_ =	swait.ge [sflag:s29], $0x500  }
0x6b: {  	[sflag:s29] =	ssyncset.done $0x0  }
0x6c: {  	[sflag:s29] =	ssyncadd.s32 $0xFFFFFB00  }
0x6d: {  	_ =	sfence.sel $0x180000  }
0x6e: {  	[bflag:$0x0] =	sbarrier.arrive $0xFFFF  }
0x6f: {  	_ =	strace $0x90000047  }
0x70: {  	s0 =	stileid.u32;
	[bflag:$0x2] =	sbarrier.arrive $0xFFFF  }
0x71: {  	p0 =	sne.s32 s0, $0x0;
	s0 =	rddreg [dreg:$0x3]  }
0x72: {  	s0 =	sadd.s32 @!p0 $0x100000, s0  }
0x73: {  	[sflag:s0] =	ssyncadd.tile.s32 @!p0 $0x1;
	_ =	shalt  }
.Lfunc_end2:
_tile_overlayer_lowered:
.L_overlay_start_2:
0x74: {  	(tag) =	ssettag $0x2  }
0x75: {  	s0 =	rddreg [dreg:$0x0];
	s2 =	stileid.u32  }
0x76: {  	s1 =	rddreg [dreg:$0x1];
	p0 =	sne.s32 s2, $0x0  }
0x77: {  	s3 =	rddreg [dreg:$0x2];
	[bflag:$0x3] =	sbarrier.arrive $0xFFFF;
	s2 =	simm.s32 @!p0 $0x1C05  }
0x78: {  	[timem:s3], [sflag:s2] =	dma.local @!p0 [hbm:s0], s1  }
0x79: {  	s0 =	simm.s32 @!p0 $0x5  }
0x7a: {  	_ =	swait.ge @!p0 [sflag:s0], s1  }
0x7b: {  	s1 =	ssub.s32 @!p0 $0x0, s1;
	[sflag:s0] =	ssyncset.done @!p0 $0x0  }
0x7c: {  	[sflag:s0] =	ssyncadd.s32 @!p0 s1  }
0x7d: {  	[bflag:$0x3] =	sbarrier.arrive $0xFFFF  }
0x7e: {  	_ =	shalt  }

</sc_bundles>
